<compile_context>
chip_gen: v7x
topology: tpu7x:2x2x1
jax: 0.10.2.dev20260603
libtpu: 0.0.44.dev20260713+nightly
codegen_flags: <defaults>
</compile_context>

<pallas_src>
import jax
import jax.numpy as jnp
from jax import lax
from jax.experimental import pallas as pl
from jax.experimental.pallas import tpu as pltpu
from jax.experimental.pallas import tpu_sc as plsc

_N = 2048
_NSPEC = 4
_CUTOFF = 1.0
_NW = 32
_LN2 = 0.6931471805599453

_SC_ROWS = 256
_SC_CHUNKS = _SC_ROWS // 16
_SC_SPLIT = _NW // _SC_CHUNKS
_SC_JSPAN = _N // _SC_SPLIT
_TC_BLOCK = 896

_LOG2_COEFFS = (
    -3.0283174810372375, 6.065830143177264, -5.2641104770701075,
    3.218832837050299, -1.2342631730323361, 0.26685882285942003,
    -0.024825606614202734,
)



def _sc_body(xs_h, ys_h, zs_h, sp_h, t3_h, ta_h, te_h, tf_h,
             fx_h, fy_h, fz_h, e_h,
             xs_v, ys_v, zs_v, sp_v, t3_v, ta_v, te_v, tf_v,
             fxv, fyv, fzv, ev):
    wid = lax.axis_index("s") * 2 + lax.axis_index("c")
    pltpu.sync_copy(xs_h, xs_v)
    pltpu.sync_copy(ys_h, ys_v)
    pltpu.sync_copy(zs_h, zs_v)
    pltpu.sync_copy(sp_h, sp_v)
    pltpu.sync_copy(t3_h, t3_v)
    pltpu.sync_copy(ta_h, ta_v)
    pltpu.sync_copy(te_h, te_v)
    pltpu.sync_copy(tf_h, tf_v)

    lanes = lax.broadcasted_iota(jnp.int32, (16,), 0)
    zero16 = jnp.zeros((16,), jnp.float32)

    chunk = wid % _SC_CHUNKS
    half = wid // _SC_CHUNKS
    base = (_N - _SC_ROWS) + chunk * 16
    xi = xs_v[pl.ds(base, 16)]
    yi = ys_v[pl.ds(base, 16)]
    zi = zs_v[pl.ds(base, 16)]
    si4 = sp_v[pl.ds(base, 16)] * 4
    iv = base + lanes

    @plsc.parallel_loop(half * _SC_JSPAN, (half + 1) * _SC_JSPAN,
                        carry=(zero16, zero16, zero16, zero16),
                        unroll=4)
    def j_loop(j, carry):
        fx, fy, fz, e = carry
        jf = jnp.full((16,), j, jnp.int32)
        xj = plsc.load_gather(xs_v, [jf])
        yj = plsc.load_gather(ys_v, [jf])
        zj = plsc.load_gather(zs_v, [jf])
        sj = plsc.load_gather(sp_v, [jf])
        idx = si4 + sj
        t3g = plsc.load_gather(t3_v, [idx])
        tag = plsc.load_gather(ta_v, [idx])
        teg = plsc.load_gather(te_v, [idx])
        tfg = plsc.load_gather(tf_v, [idx])
        dx = xj - xi
        dy = yj - yi
        dz = zj - zi
        d2 = dx * dx + dy * dy + dz * dz
        y0 = plsc.bitcast(
            jnp.int32(0x5F3759DF) - (plsc.bitcast(d2, jnp.int32) >> 1),
            jnp.float32)
        hd = 0.5 * d2
        y0 = y0 * (1.5 - hd * y0 * y0)
        y0 = y0 * (1.5 - hd * y0 * y0)
        r = d2 * y0
        xr = 1.0 - r * t3g
        mask = (jf != iv) & (r < _CUTOFF) & (xr > 0.0)
        xq = jnp.where(mask, xr, 1.0)
        xb = plsc.bitcast(xq, jnp.int32)
        ef = ((xb >> 23) - 127).astype(jnp.float32)
        mb = plsc.bitcast((xb & 0x007FFFFF) | 0x3F800000, jnp.float32)
        poly = jnp.full((16,), _LOG2_COEFFS[6], jnp.float32)
        for c in _LOG2_COEFFS[5::-1]:
            poly = poly * mb + c
        lg2 = poly + ef
        p1 = jnp.exp(tag * lg2)
        e = e + jnp.where(mask, teg * p1 * xq, 0.0)
        g = jnp.where(mask, (tfg * p1) * y0, 0.0)
        return fx + g * dx, fy + g * dy, fz + g * dz, e

    fx, fy, fz, e2 = j_loop
    fxv[...] = fx
    fyv[...] = fy
    fzv[...] = fz
    ev[...] = e2

    out_base = half * _SC_ROWS + (base - (_N - _SC_ROWS))
    pltpu.sync_copy(fxv, fx_h.at[pl.ds(out_base, 16)])
    pltpu.sync_copy(fyv, fy_h.at[pl.ds(out_base, 16)])
    pltpu.sync_copy(fzv, fz_h.at[pl.ds(out_base, 16)])
    pltpu.sync_copy(ev, e_h.at[pl.ds(wid * 16, 16)])


def _sc_call(xs, ys, zs, spec, t3_t, ta_t, te_t, tf_t):
    mesh = plsc.VectorSubcoreMesh(core_axis_name="c", subcore_axis_name="s")
    f32 = jnp.float32
    run = pl.kernel(
        _sc_body,
        mesh=mesh,
        compiler_params=pltpu.CompilerParams(needs_layout_passes=False,
                                             skip_device_barrier=True),
        out_type=[
            jax.ShapeDtypeStruct((_SC_SPLIT * _SC_ROWS,), f32),
            jax.ShapeDtypeStruct((_SC_SPLIT * _SC_ROWS,), f32),
            jax.ShapeDtypeStruct((_SC_SPLIT * _SC_ROWS,), f32),
            jax.ShapeDtypeStruct((_NW * 16,), f32),
        ],
        scratch_types=[
            pltpu.VMEM((_N,), f32),
            pltpu.VMEM((_N,), f32),
            pltpu.VMEM((_N,), f32),
            pltpu.VMEM((_N,), jnp.int32),
            pltpu.VMEM((16,), f32),
            pltpu.VMEM((16,), f32),
            pltpu.VMEM((16,), f32),
            pltpu.VMEM((16,), f32),
            pltpu.VMEM((16,), f32),
            pltpu.VMEM((16,), f32),
            pltpu.VMEM((16,), f32),
            pltpu.VMEM((16,), f32),
        ],
    )
    return run(xs, ys, zs, spec, t3_t, ta_t, te_t, tf_t)



def _tc_body(pos_ref, posT_ref, sc_ref, sr_ref, posf_ref, sig_ref, alp_ref,
             eps_ref, e_ref, f_ref):
    pid = pl.program_id(0)
    n = posT_ref.shape[1]
    blk = pos_ref.shape[0]

    px = posT_ref[0:1, :]
    py = posT_ref[1:2, :]
    pz = posT_ref[2:3, :]
    cx = pos_ref[:, 0:1]
    cy = pos_ref[:, 1:2]
    cz = pos_ref[:, 2:3]
    dx = px - cx
    dy = py - cy
    dz = pz - cz
    d2 = dx * dx + dy * dy + dz * dz
    rinv = jax.lax.rsqrt(d2)
    r = d2 * rinv

    oh_i = (sc_ref[...] == jax.lax.broadcasted_iota(
        jnp.int32, (blk, _NSPEC), 1)).astype(jnp.float32)
    oh_j = (sr_ref[...] == jax.lax.broadcasted_iota(
        jnp.int32, (_NSPEC, n), 0)).astype(jnp.float32)

    def pair_field(t44):
        return jnp.dot(
            jnp.dot(oh_i, t44, preferred_element_type=jnp.float32),
            oh_j, preferred_element_type=jnp.float32)

    t3 = pair_field(1.0 / sig_ref[...])
    ta = pair_field(alp_ref[...] - 1.0)
    te = pair_field(eps_ref[...] / alp_ref[...])
    tf = pair_field(-eps_ref[...] / sig_ref[...])

    xr = 1.0 - r * t3
    mask = (d2 > 0.0) & (r < _CUTOFF) & (xr > 0.0)

    xq = jnp.where(mask, xr, 1.0)
    p1 = jnp.exp(ta * jnp.log(xq))
    energies = jnp.where(mask, te * (p1 * xq), 0.0)
    g = jnp.where(mask, (tf * p1) * rinv, 0.0)

    s = jnp.sum(g, axis=1, keepdims=True)
    f_ref[...] = (jnp.dot(g, posf_ref[...], preferred_element_type=jnp.float32)
                  - s * pos_ref[...])

    @pl.when(pid == 0)
    def _():
        e_ref[...] = jnp.zeros((1, 1), jnp.float32)

    e_ref[...] += 0.5 * jnp.sum(energies, keepdims=True)


def _tc_call(positions, species):
    n = positions.shape[0]
    nrows = n - _SC_ROWS
    posT = positions.T
    spec_col = species.reshape(n, 1).astype(jnp.int32)
    spec_row = species.reshape(1, n).astype(jnp.int32)

    def run(sig_m, alp_m, eps_m):
        return pl.pallas_call(
            _tc_body,
            grid=(nrows // _TC_BLOCK,),
            compiler_params=pltpu.CompilerParams(skip_device_barrier=True),
            in_specs=[
                pl.BlockSpec((_TC_BLOCK, 3), lambda i: (i, 0)),
                pl.BlockSpec((3, n), lambda i: (0, 0)),
                pl.BlockSpec((_TC_BLOCK, 1), lambda i: (i, 0)),
                pl.BlockSpec((1, n), lambda i: (0, 0)),
                pl.BlockSpec((n, 3), lambda i: (0, 0)),
                pl.BlockSpec((_NSPEC, _NSPEC), lambda i: (0, 0)),
                pl.BlockSpec((_NSPEC, _NSPEC), lambda i: (0, 0)),
                pl.BlockSpec((_NSPEC, _NSPEC), lambda i: (0, 0)),
            ],
            out_specs=[
                pl.BlockSpec((1, 1), lambda i: (0, 0)),
                pl.BlockSpec((_TC_BLOCK, 3), lambda i: (i, 0)),
            ],
            out_shape=[
                jax.ShapeDtypeStruct((1, 1), jnp.float32),
                jax.ShapeDtypeStruct((nrows, 3), jnp.float32),
            ],
        )(positions, posT, spec_col, spec_row, positions,
          sig_m, alp_m, eps_m)

    return run


def kernel(positions, species, sigma_matrix, epsilon_matrix, alpha_matrix):
    xs = positions[:, 0]
    ys = positions[:, 1]
    zs = positions[:, 2]
    spec = species.astype(jnp.int32)
    t3_t = (1.0 / sigma_matrix).reshape(-1)
    ta_t = ((alpha_matrix - 1.0) * _LN2).reshape(-1)
    te_t = (epsilon_matrix / alpha_matrix).reshape(-1)
    tf_t = (-epsilon_matrix / sigma_matrix).reshape(-1)
    fxp, fyp, fzp, e_part = _sc_call(xs, ys, zs, spec, t3_t, ta_t, te_t, tf_t)
    fx = jnp.sum(fxp.reshape(_SC_SPLIT, _SC_ROWS), axis=0)
    fy = jnp.sum(fyp.reshape(_SC_SPLIT, _SC_ROWS), axis=0)
    fz = jnp.sum(fzp.reshape(_SC_SPLIT, _SC_ROWS), axis=0)
    e_tc, f_tc = _tc_call(positions, species)(
        sigma_matrix, alpha_matrix, epsilon_matrix)
    forces = jnp.concatenate(
        [f_tc, jnp.stack([fx, fy, fz], axis=1)], axis=0)
    energy = 0.5 * jnp.sum(e_part) + e_tc[0, 0]
    return energy, forces

# --- scband reference (transcript-rebuilt; emitter-appended) ---
"""Pipeline reference for scband-unbatched-soft-sphere-multi-model-30176440222239 (READ-ONLY COPY).

The authoritative reference and input builder live on the scoring server;
editing this copy changes nothing except your own understanding.
"""

import jax, jax.numpy as jnp
import numpy as np

N_ATOMS = 2048
N_SPECIES = 4
CUTOFF = 1.0


def setup_inputs(seed: int = 0) -> dict:
    key = jax.random.key(seed)
    k1, k2 = jax.random.split(key)
    positions = jax.random.uniform(k1, (N_ATOMS, 3), dtype=jnp.float32)
    species = jax.random.randint(k2, (N_ATOMS,), 0, N_SPECIES)
    # parameter matrices as built by __init__ defaults (sigma=1, epsilon=1, alpha=2)
    sigma_matrix = jnp.ones((N_SPECIES, N_SPECIES), dtype=jnp.float32)
    epsilon_matrix = jnp.ones((N_SPECIES, N_SPECIES), dtype=jnp.float32)
    alpha_matrix = 2.0 * jnp.ones((N_SPECIES, N_SPECIES), dtype=jnp.float32)
    return {
        "positions": positions,
        "species": species,
        "sigma_matrix": sigma_matrix,
        "epsilon_matrix": epsilon_matrix,
        "alpha_matrix": alpha_matrix,
    }


def _safe_mask(mask, fn, operand, placeholder=0.0):
    masked = jnp.where(mask, operand, 0.0)
    return jnp.where(mask, fn(masked), placeholder)


def reference(positions, species, sigma_matrix, epsilon_matrix, alpha_matrix):
    n = positions.shape[0]
    # full pairwise displacements (use_neighbor_list=False, pbc=False path)
    dr_vec = positions[None, :, :] - positions[:, None, :]  # dr_vec[i, j] = pos_j - pos_i
    dist2 = jnp.sum(dr_vec * dr_vec, axis=-1)
    off_diag = ~jnp.eye(n, dtype=bool)
    distances = jnp.sqrt(jnp.where(off_diag, dist2, 1.0))  # diagonal excluded below
    within = off_diag & (distances < CUTOFF)
    # species-pair parameter gathers: sigma_matrix[species_i, species_j] etc.
    sig = sigma_matrix[species[:, None], species[None, :]]
    eps = epsilon_matrix[species[:, None], species[None, :]]
    alp = alpha_matrix[species[:, None], species[None, :]]
    pair_mask = within & (distances < sig)
    # soft_sphere_pair energies with safe_mask
    energies = _safe_mask(pair_mask, lambda r: eps / alp * (1.0 - r / sig) ** alp, distances)
    energy = 0.5 * jnp.sum(energies)  # each pair counted twice in full matrix
    # soft_sphere_pair_force magnitudes with safe_mask
    f_mag = _safe_mask(
        pair_mask, lambda r: -eps / sig * (1.0 - r / sig) ** (alp - 1.0), distances
    )
    safe_dist = jnp.where(pair_mask, distances, 1.0)
    force_vecs = (f_mag / safe_dist)[:, :, None] * dr_vec
    forces = jnp.sum(force_vecs, axis=1)  # repulsive force on atom i from all j
    return energy, forces

if __name__ == "__main__":
    import jax
    _d = setup_inputs()
    print(jax.jit(kernel)(*tuple(_d.values())))

</pallas_src>

<mosaic_0001>
#map = affine_map<(d0, d1) -> (0)>
module attributes {stable_mosaic.version = 14 : i64} {
  func.func @_sc_body(%arg0: i32, %arg1: i32, %arg2: memref<2048xf32, #tpu.memory_space<hbm>>, %arg3: memref<2048xf32, #tpu.memory_space<hbm>>, %arg4: memref<2048xf32, #tpu.memory_space<hbm>>, %arg5: memref<2048xi32, #tpu.memory_space<hbm>>, %arg6: memref<16xf32, #tpu.memory_space<hbm>>, %arg7: memref<16xf32, #tpu.memory_space<hbm>>, %arg8: memref<16xf32, #tpu.memory_space<hbm>>, %arg9: memref<16xf32, #tpu.memory_space<hbm>>, %arg10: memref<512xf32, #tpu.memory_space<hbm>>, %arg11: memref<512xf32, #tpu.memory_space<hbm>>, %arg12: memref<512xf32, #tpu.memory_space<hbm>>, %arg13: memref<512xf32, #tpu.memory_space<hbm>>, %arg14: memref<2048xf32, #tpu.memory_space<vmem>>, %arg15: memref<2048xf32, #tpu.memory_space<vmem>>, %arg16: memref<2048xf32, #tpu.memory_space<vmem>>, %arg17: memref<2048xi32, #tpu.memory_space<vmem>>, %arg18: memref<16xf32, #tpu.memory_space<vmem>>, %arg19: memref<16xf32, #tpu.memory_space<vmem>>, %arg20: memref<16xf32, #tpu.memory_space<vmem>>, %arg21: memref<16xf32, #tpu.memory_space<vmem>>, %arg22: memref<16xf32, #tpu.memory_space<vmem>>, %arg23: memref<16xf32, #tpu.memory_space<vmem>>, %arg24: memref<16xf32, #tpu.memory_space<vmem>>, %arg25: memref<16xf32, #tpu.memory_space<vmem>>) attributes {dimension_semantics = [#tpu.dimension_semantics<core_parallel>, #tpu.dimension_semantics<subcore_parallel>], iteration_bounds = array<i64: 2, 16>, scalar_prefetch = 0 : i64, scratch_operands = 12 : i64, tpu.core_type = #tpu.core_type<sc_vector_subcore>, window_params = [{transform_indices = #map}, {transform_indices = #map}, {transform_indices = #map}, {transform_indices = #map}, {transform_indices = #map}, {transform_indices = #map}, {transform_indices = #map}, {transform_indices = #map}, {transform_indices = #map}, {transform_indices = #map}, {transform_indices = #map}, {transform_indices = #map}]} {
    %mul3A = arith.constant 2 : i32
    %mul3A_0 = arith.muli %arg1, %mul3A : i32
    %add3A = arith.addi %mul3A_0, %arg0 : i32
    "tpu.region"() ({
      %run_scoped3A = tpu.sem_alloc : memref<!tpu.dma_semaphore, #tpu.memory_space<semaphore_mem>>
      tpu.enqueue_dma source(%arg2 : memref<2048xf32, #tpu.memory_space<hbm>>) target(%arg14 : memref<2048xf32, #tpu.memory_space<vmem>>) target_semaphore(%run_scoped3A : memref<!tpu.dma_semaphore, #tpu.memory_space<semaphore_mem>>)
      tpu.wait_dma2 semaphore(%run_scoped3A : memref<!tpu.dma_semaphore, #tpu.memory_space<semaphore_mem>>) src(%arg2 : memref<2048xf32, #tpu.memory_space<hbm>>) dst(%arg14 : memref<2048xf32, #tpu.memory_space<vmem>>)
      tpu.yield
    }) : () -> ()
    "tpu.region"() ({
      %run_scoped3A = tpu.sem_alloc : memref<!tpu.dma_semaphore, #tpu.memory_space<semaphore_mem>>
      tpu.enqueue_dma source(%arg3 : memref<2048xf32, #tpu.memory_space<hbm>>) target(%arg15 : memref<2048xf32, #tpu.memory_space<vmem>>) target_semaphore(%run_scoped3A : memref<!tpu.dma_semaphore, #tpu.memory_space<semaphore_mem>>)
      tpu.wait_dma2 semaphore(%run_scoped3A : memref<!tpu.dma_semaphore, #tpu.memory_space<semaphore_mem>>) src(%arg3 : memref<2048xf32, #tpu.memory_space<hbm>>) dst(%arg15 : memref<2048xf32, #tpu.memory_space<vmem>>)
      tpu.yield
    }) : () -> ()
    "tpu.region"() ({
      %run_scoped3A = tpu.sem_alloc : memref<!tpu.dma_semaphore, #tpu.memory_space<semaphore_mem>>
      tpu.enqueue_dma source(%arg4 : memref<2048xf32, #tpu.memory_space<hbm>>) target(%arg16 : memref<2048xf32, #tpu.memory_space<vmem>>) target_semaphore(%run_scoped3A : memref<!tpu.dma_semaphore, #tpu.memory_space<semaphore_mem>>)
      tpu.wait_dma2 semaphore(%run_scoped3A : memref<!tpu.dma_semaphore, #tpu.memory_space<semaphore_mem>>) src(%arg4 : memref<2048xf32, #tpu.memory_space<hbm>>) dst(%arg16 : memref<2048xf32, #tpu.memory_space<vmem>>)
      tpu.yield
    }) : () -> ()
    "tpu.region"() ({
      %run_scoped3A = tpu.sem_alloc : memref<!tpu.dma_semaphore, #tpu.memory_space<semaphore_mem>>
      tpu.enqueue_dma source(%arg5 : memref<2048xi32, #tpu.memory_space<hbm>>) target(%arg17 : memref<2048xi32, #tpu.memory_space<vmem>>) target_semaphore(%run_scoped3A : memref<!tpu.dma_semaphore, #tpu.memory_space<semaphore_mem>>)
      tpu.wait_dma2 semaphore(%run_scoped3A : memref<!tpu.dma_semaphore, #tpu.memory_space<semaphore_mem>>) src(%arg5 : memref<2048xi32, #tpu.memory_space<hbm>>) dst(%arg17 : memref<2048xi32, #tpu.memory_space<vmem>>)
      tpu.yield
    }) : () -> ()
    "tpu.region"() ({
      %run_scoped3A = tpu.sem_alloc : memref<!tpu.dma_semaphore, #tpu.memory_space<semaphore_mem>>
      tpu.enqueue_dma source(%arg6 : memref<16xf32, #tpu.memory_space<hbm>>) target(%arg18 : memref<16xf32, #tpu.memory_space<vmem>>) target_semaphore(%run_scoped3A : memref<!tpu.dma_semaphore, #tpu.memory_space<semaphore_mem>>)
      tpu.wait_dma2 semaphore(%run_scoped3A : memref<!tpu.dma_semaphore, #tpu.memory_space<semaphore_mem>>) src(%arg6 : memref<16xf32, #tpu.memory_space<hbm>>) dst(%arg18 : memref<16xf32, #tpu.memory_space<vmem>>)
      tpu.yield
    }) : () -> ()
    "tpu.region"() ({
      %run_scoped3A = tpu.sem_alloc : memref<!tpu.dma_semaphore, #tpu.memory_space<semaphore_mem>>
      tpu.enqueue_dma source(%arg7 : memref<16xf32, #tpu.memory_space<hbm>>) target(%arg19 : memref<16xf32, #tpu.memory_space<vmem>>) target_semaphore(%run_scoped3A : memref<!tpu.dma_semaphore, #tpu.memory_space<semaphore_mem>>)
      tpu.wait_dma2 semaphore(%run_scoped3A : memref<!tpu.dma_semaphore, #tpu.memory_space<semaphore_mem>>) src(%arg7 : memref<16xf32, #tpu.memory_space<hbm>>) dst(%arg19 : memref<16xf32, #tpu.memory_space<vmem>>)
      tpu.yield
    }) : () -> ()
    "tpu.region"() ({
      %run_scoped3A = tpu.sem_alloc : memref<!tpu.dma_semaphore, #tpu.memory_space<semaphore_mem>>
      tpu.enqueue_dma source(%arg8 : memref<16xf32, #tpu.memory_space<hbm>>) target(%arg20 : memref<16xf32, #tpu.memory_space<vmem>>) target_semaphore(%run_scoped3A : memref<!tpu.dma_semaphore, #tpu.memory_space<semaphore_mem>>)
      tpu.wait_dma2 semaphore(%run_scoped3A : memref<!tpu.dma_semaphore, #tpu.memory_space<semaphore_mem>>) src(%arg8 : memref<16xf32, #tpu.memory_space<hbm>>) dst(%arg20 : memref<16xf32, #tpu.memory_space<vmem>>)
      tpu.yield
    }) : () -> ()
    "tpu.region"() ({
      %run_scoped3A = tpu.sem_alloc : memref<!tpu.dma_semaphore, #tpu.memory_space<semaphore_mem>>
      tpu.enqueue_dma source(%arg9 : memref<16xf32, #tpu.memory_space<hbm>>) target(%arg21 : memref<16xf32, #tpu.memory_space<vmem>>) target_semaphore(%run_scoped3A : memref<!tpu.dma_semaphore, #tpu.memory_space<semaphore_mem>>)
      tpu.wait_dma2 semaphore(%run_scoped3A : memref<!tpu.dma_semaphore, #tpu.memory_space<semaphore_mem>>) src(%arg9 : memref<16xf32, #tpu.memory_space<hbm>>) dst(%arg21 : memref<16xf32, #tpu.memory_space<vmem>>)
      tpu.yield
    }) : () -> ()
    %iota3A = tpu.iota {dimensions = array<i32: 0>} : vector<16xi32>
    %broadcast_in_dim3A = arith.constant 0.000000e+00 : f32
    %broadcast_in_dim3A_1 = vector.broadcast %broadcast_in_dim3A : f32 to vector<16xf32>
    %jit3A = arith.constant 16 : i32
    %eq3A = arith.constant 0 : i32
    %eq3A_2 = arith.cmpi eq, %jit3A, %eq3A : i32
    %jit3A_3 = arith.constant 1 : i32
    %select_n3A = arith.select %eq3A_2, %jit3A_3, %jit3A : i32
    %rem3A = arith.remsi %add3A, %select_n3A : i32
    %ne3A = arith.constant 0 : i32
    %ne3A_4 = arith.cmpi ne, %rem3A, %ne3A : i32
    %lt3A = arith.constant 0 : i32
    %lt3A_5 = arith.cmpi slt, %rem3A, %lt3A : i32
    %lt3A_6 = arith.constant 0 : i32
    %lt3A_7 = arith.cmpi slt, %select_n3A, %lt3A_6 : i32
    %ne3A_8 = arith.xori %lt3A_5, %lt3A_7 : i1
    %and3A = arith.andi %ne3A_8, %ne3A_4 : i1
    %add3A_9 = arith.addi %rem3A, %select_n3A : i32
    %select_n3A_10 = arith.select %and3A, %add3A_9, %rem3A : i32
    %jit3A_11 = arith.constant 16 : i32
    %div3A = arith.divsi %add3A, %jit3A_11 : i32
    %sign3A = arith.constant 0 : i32
    %sign3A_12 = arith.cmpi sgt, %add3A, %sign3A : i32
    %sign3A_13 = arith.extui %sign3A_12 : i1 to i32
    %sign3A_14 = arith.constant 0 : i32
    %sign3A_15 = arith.cmpi slt, %add3A, %sign3A_14 : i32
    %sign3A_16 = arith.extui %sign3A_15 : i1 to i32
    %sign3A_17 = arith.subi %sign3A_13, %sign3A_16 : i32
    %sign3A_18 = arith.constant 0 : i32
    %sign3A_19 = arith.cmpi sgt, %jit3A_11, %sign3A_18 : i32
    %sign3A_20 = arith.extui %sign3A_19 : i1 to i32
    %sign3A_21 = arith.constant 0 : i32
    %sign3A_22 = arith.cmpi slt, %jit3A_11, %sign3A_21 : i32
    %sign3A_23 = arith.extui %sign3A_22 : i1 to i32
    %sign3A_24 = arith.subi %sign3A_20, %sign3A_23 : i32
    %ne3A_25 = arith.cmpi ne, %sign3A_17, %sign3A_24 : i32
    %rem3A_26 = arith.remsi %add3A, %jit3A_11 : i32
    %ne3A_27 = arith.constant 0 : i32
    %ne3A_28 = arith.cmpi ne, %rem3A_26, %ne3A_27 : i32
    %and3A_29 = arith.andi %ne3A_25, %ne3A_28 : i1
    %sub3A = arith.constant 1 : i32
    %sub3A_30 = arith.subi %div3A, %sub3A : i32
    %select_n3A_31 = arith.select %and3A_29, %sub3A_30, %div3A : i32
    %mul3A_32 = arith.constant 16 : i32
    %mul3A_33 = arith.muli %select_n3A_10, %mul3A_32 : i32
    %add3A_34 = arith.constant 1792 : i32
    %add3A_35 = arith.addi %add3A_34, %mul3A_33 : i32
    %get3A = arith.index_cast %add3A_35 : i32 to index
    %get3A_36 = tpu.vector_load %arg14[%get3A] {strides = array<i32>} : memref<2048xf32, #tpu.memory_space<vmem>>, vector<16xf32>,
    %get3A_37 = arith.index_cast %add3A_35 : i32 to index
    %get3A_38 = tpu.vector_load %arg15[%get3A_37] {strides = array<i32>} : memref<2048xf32, #tpu.memory_space<vmem>>, vector<16xf32>,
    %get3A_39 = arith.index_cast %add3A_35 : i32 to index
    %get3A_40 = tpu.vector_load %arg16[%get3A_39] {strides = array<i32>} : memref<2048xf32, #tpu.memory_space<vmem>>, vector<16xf32>,
    %get3A_41 = arith.index_cast %add3A_35 : i32 to index
    %get3A_42 = tpu.vector_load %arg17[%get3A_41] {strides = array<i32>} : memref<2048xi32, #tpu.memory_space<vmem>>, vector<16xi32>,
    %mul3A_43 = arith.constant 4 : i32
    %mul3A_44 = vector.broadcast %mul3A_43 : i32 to vector<16xi32>
    %mul3A_45 = arith.muli %get3A_42, %mul3A_44 : vector<16xi32>
    %add3A_46 = vector.broadcast %add3A_35 : i32 to vector<16xi32>
    %add3A_47 = arith.addi %add3A_46, %iota3A : vector<16xi32>
    %mul3A_48 = arith.constant 1024 : i32
    %mul3A_49 = arith.muli %select_n3A_31, %mul3A_48 : i32
    %add3A_50 = arith.constant 1 : i32
    %add3A_51 = arith.addi %select_n3A_31, %add3A_50 : i32
    %mul3A_52 = arith.constant 1024 : i32
    %mul3A_53 = arith.muli %add3A_51, %mul3A_52 : i32
    %parallel_loop3A = arith.constant 1 : i32
    %parallel_loop3A_54:4 = scf.for %parallel_loop3A_69 = %mul3A_49 to %mul3A_53 step %parallel_loop3A iter_args(%parallel_loop3A_70 = %broadcast_in_dim3A_1, %parallel_loop3A_71 = %broadcast_in_dim3A_1, %parallel_loop3A_72 = %broadcast_in_dim3A_1, %parallel_loop3A_73 = %broadcast_in_dim3A_1) -> (vector<16xf32>, vector<16xf32>, vector<16xf32>, vector<16xf32>)  : i32 {
      %parallel_loop3A_74 = vector.broadcast %parallel_loop3A_69 : i32 to vector<16xi32>
      %parallel_loop3A_75 = tpu.vector_load_idx %arg14[%parallel_loop3A_74] : memref<2048xf32, #tpu.memory_space<vmem>>[vector<16xi32>], vector<16xf32>,
      %parallel_loop3A_76 = tpu.vector_load_idx %arg15[%parallel_loop3A_74] : memref<2048xf32, #tpu.memory_space<vmem>>[vector<16xi32>], vector<16xf32>,
      %parallel_loop3A_77 = tpu.vector_load_idx %arg16[%parallel_loop3A_74] : memref<2048xf32, #tpu.memory_space<vmem>>[vector<16xi32>], vector<16xf32>,
      %parallel_loop3A_78 = tpu.vector_load_idx %arg17[%parallel_loop3A_74] : memref<2048xi32, #tpu.memory_space<vmem>>[vector<16xi32>], vector<16xi32>,
      %parallel_loop3A_79 = arith.addi %mul3A_45, %parallel_loop3A_78 : vector<16xi32>
      %parallel_loop3A_80 = tpu.vector_load_idx %arg18[%parallel_loop3A_79] : memref<16xf32, #tpu.memory_space<vmem>>[vector<16xi32>], vector<16xf32>,
      %parallel_loop3A_81 = tpu.vector_load_idx %arg19[%parallel_loop3A_79] : memref<16xf32, #tpu.memory_space<vmem>>[vector<16xi32>], vector<16xf32>,
      %parallel_loop3A_82 = tpu.vector_load_idx %arg20[%parallel_loop3A_79] : memref<16xf32, #tpu.memory_space<vmem>>[vector<16xi32>], vector<16xf32>,
      %parallel_loop3A_83 = tpu.vector_load_idx %arg21[%parallel_loop3A_79] : memref<16xf32, #tpu.memory_space<vmem>>[vector<16xi32>], vector<16xf32>,
      %parallel_loop3A_84 = arith.subf %parallel_loop3A_75, %get3A_36 : vector<16xf32>
      %parallel_loop3A_85 = arith.subf %parallel_loop3A_76, %get3A_38 : vector<16xf32>
      %parallel_loop3A_86 = arith.subf %parallel_loop3A_77, %get3A_40 : vector<16xf32>
      %parallel_loop3A_87 = arith.mulf %parallel_loop3A_84, %parallel_loop3A_84 : vector<16xf32>
      %parallel_loop3A_88 = arith.mulf %parallel_loop3A_85, %parallel_loop3A_85 : vector<16xf32>
      %parallel_loop3A_89 = arith.addf %parallel_loop3A_87, %parallel_loop3A_88 : vector<16xf32>
      %parallel_loop3A_90 = arith.mulf %parallel_loop3A_86, %parallel_loop3A_86 : vector<16xf32>
      %parallel_loop3A_91 = arith.addf %parallel_loop3A_89, %parallel_loop3A_90 : vector<16xf32>
      %parallel_loop3A_92 = vector.bitcast %parallel_loop3A_91 : vector<16xf32> to vector<16xi32>
      %parallel_loop3A_93 = arith.constant 1 : i32
      %parallel_loop3A_94 = vector.broadcast %parallel_loop3A_93 : i32 to vector<16xi32>
      %parallel_loop3A_95 = arith.shrsi %parallel_loop3A_92, %parallel_loop3A_94 : vector<16xi32>
      %parallel_loop3A_96 = arith.constant 1597463007 : i32
      %parallel_loop3A_97 = vector.broadcast %parallel_loop3A_96 : i32 to vector<16xi32>
      %parallel_loop3A_98 = arith.subi %parallel_loop3A_97, %parallel_loop3A_95 : vector<16xi32>
      %parallel_loop3A_99 = vector.bitcast %parallel_loop3A_98 : vector<16xi32> to vector<16xf32>
      %parallel_loop3A_100 = arith.constant 5.000000e-01 : f32
      %parallel_loop3A_101 = vector.broadcast %parallel_loop3A_100 : f32 to vector<16xf32>
      %parallel_loop3A_102 = arith.mulf %parallel_loop3A_101, %parallel_loop3A_91 : vector<16xf32>
      %parallel_loop3A_103 = arith.mulf %parallel_loop3A_102, %parallel_loop3A_99 : vector<16xf32>
      %parallel_loop3A_104 = arith.mulf %parallel_loop3A_103, %parallel_loop3A_99 : vector<16xf32>
      %parallel_loop3A_105 = arith.constant 1.500000e+00 : f32
      %parallel_loop3A_106 = vector.broadcast %parallel_loop3A_105 : f32 to vector<16xf32>
      %parallel_loop3A_107 = arith.subf %parallel_loop3A_106, %parallel_loop3A_104 : vector<16xf32>
      %parallel_loop3A_108 = arith.mulf %parallel_loop3A_99, %parallel_loop3A_107 : vector<16xf32>
      %parallel_loop3A_109 = arith.mulf %parallel_loop3A_102, %parallel_loop3A_108 : vector<16xf32>
      %parallel_loop3A_110 = arith.mulf %parallel_loop3A_109, %parallel_loop3A_108 : vector<16xf32>
      %parallel_loop3A_111 = arith.constant 1.500000e+00 : f32
      %parallel_loop3A_112 = vector.broadcast %parallel_loop3A_111 : f32 to vector<16xf32>
      %parallel_loop3A_113 = arith.subf %parallel_loop3A_112, %parallel_loop3A_110 : vector<16xf32>
      %parallel_loop3A_114 = arith.mulf %parallel_loop3A_108, %parallel_loop3A_113 : vector<16xf32>
      %parallel_loop3A_115 = arith.mulf %parallel_loop3A_91, %parallel_loop3A_114 : vector<16xf32>
      %parallel_loop3A_116 = arith.mulf %parallel_loop3A_115, %parallel_loop3A_80 : vector<16xf32>
      %parallel_loop3A_117 = arith.constant 1.000000e+00 : f32
      %parallel_loop3A_118 = vector.broadcast %parallel_loop3A_117 : f32 to vector<16xf32>
      %parallel_loop3A_119 = arith.subf %parallel_loop3A_118, %parallel_loop3A_116 : vector<16xf32>
      %parallel_loop3A_120 = arith.cmpi ne, %parallel_loop3A_74, %add3A_47 : vector<16xi32>
      %parallel_loop3A_121 = arith.constant 1.000000e+00 : f32
      %parallel_loop3A_122 = vector.broadcast %parallel_loop3A_121 : f32 to vector<16xf32>
      %parallel_loop3A_123 = arith.cmpf olt, %parallel_loop3A_115, %parallel_loop3A_122 : vector<16xf32>
      %parallel_loop3A_124 = arith.andi %parallel_loop3A_120, %parallel_loop3A_123 : vector<16xi1>
      %parallel_loop3A_125 = arith.constant 0.000000e+00 : f32
      %parallel_loop3A_126 = vector.broadcast %parallel_loop3A_125 : f32 to vector<16xf32>
      %parallel_loop3A_127 = arith.cmpf ogt, %parallel_loop3A_119, %parallel_loop3A_126 : vector<16xf32>
      %parallel_loop3A_128 = arith.andi %parallel_loop3A_124, %parallel_loop3A_127 : vector<16xi1>
      %parallel_loop3A_129 = arith.constant 1.000000e+00 : f32
      %parallel_loop3A_130 = vector.broadcast %parallel_loop3A_129 : f32 to vector<16xf32>
      %parallel_loop3A_131 = arith.select %parallel_loop3A_128, %parallel_loop3A_119, %parallel_loop3A_130 : vector<16xi1>, vector<16xf32>
      %parallel_loop3A_132 = vector.bitcast %parallel_loop3A_131 : vector<16xf32> to vector<16xi32>
      %parallel_loop3A_133 = arith.constant 23 : i32
      %parallel_loop3A_134 = vector.broadcast %parallel_loop3A_133 : i32 to vector<16xi32>
      %parallel_loop3A_135 = arith.shrsi %parallel_loop3A_132, %parallel_loop3A_134 : vector<16xi32>
      %parallel_loop3A_136 = arith.constant 127 : i32
      %parallel_loop3A_137 = vector.broadcast %parallel_loop3A_136 : i32 to vector<16xi32>
      %parallel_loop3A_138 = arith.subi %parallel_loop3A_135, %parallel_loop3A_137 : vector<16xi32>
      %parallel_loop3A_139 = arith.sitofp %parallel_loop3A_138 : vector<16xi32> to vector<16xf32>
      %parallel_loop3A_140 = arith.constant 8388607 : i32
      %parallel_loop3A_141 = vector.broadcast %parallel_loop3A_140 : i32 to vector<16xi32>
      %parallel_loop3A_142 = arith.andi %parallel_loop3A_132, %parallel_loop3A_141 : vector<16xi32>
      %parallel_loop3A_143 = arith.constant 1065353216 : i32
      %parallel_loop3A_144 = vector.broadcast %parallel_loop3A_143 : i32 to vector<16xi32>
      %parallel_loop3A_145 = arith.ori %parallel_loop3A_142, %parallel_loop3A_144 : vector<16xi32>
      %parallel_loop3A_146 = vector.bitcast %parallel_loop3A_145 : vector<16xi32> to vector<16xf32>
      %parallel_loop3A_147 = arith.constant -0.0248256065 : f32
      %parallel_loop3A_148 = vector.broadcast %parallel_loop3A_147 : f32 to vector<16xf32>
      %parallel_loop3A_149 = arith.mulf %parallel_loop3A_148, %parallel_loop3A_146 : vector<16xf32>
      %parallel_loop3A_150 = arith.constant 0.266858816 : f32
      %parallel_loop3A_151 = vector.broadcast %parallel_loop3A_150 : f32 to vector<16xf32>
      %parallel_loop3A_152 = arith.addf %parallel_loop3A_149, %parallel_loop3A_151 : vector<16xf32>
      %parallel_loop3A_153 = arith.mulf %parallel_loop3A_152, %parallel_loop3A_146 : vector<16xf32>
      %parallel_loop3A_154 = arith.constant -1.23426318 : f32
      %parallel_loop3A_155 = vector.broadcast %parallel_loop3A_154 : f32 to vector<16xf32>
      %parallel_loop3A_156 = arith.addf %parallel_loop3A_153, %parallel_loop3A_155 : vector<16xf32>
      %parallel_loop3A_157 = arith.mulf %parallel_loop3A_156, %parallel_loop3A_146 : vector<16xf32>
      %parallel_loop3A_158 = arith.constant 3.21883273 : f32
      %parallel_loop3A_159 = vector.broadcast %parallel_loop3A_158 : f32 to vector<16xf32>
      %parallel_loop3A_160 = arith.addf %parallel_loop3A_157, %parallel_loop3A_159 : vector<16xf32>
      %parallel_loop3A_161 = arith.mulf %parallel_loop3A_160, %parallel_loop3A_146 : vector<16xf32>
      %parallel_loop3A_162 = arith.constant -5.26411057 : f32
      %parallel_loop3A_163 = vector.broadcast %parallel_loop3A_162 : f32 to vector<16xf32>
      %parallel_loop3A_164 = arith.addf %parallel_loop3A_161, %parallel_loop3A_163 : vector<16xf32>
      %parallel_loop3A_165 = arith.mulf %parallel_loop3A_164, %parallel_loop3A_146 : vector<16xf32>
      %parallel_loop3A_166 = arith.constant 6.065830e+00 : f32
      %parallel_loop3A_167 = vector.broadcast %parallel_loop3A_166 : f32 to vector<16xf32>
      %parallel_loop3A_168 = arith.addf %parallel_loop3A_165, %parallel_loop3A_167 : vector<16xf32>
      %parallel_loop3A_169 = arith.mulf %parallel_loop3A_168, %parallel_loop3A_146 : vector<16xf32>
      %parallel_loop3A_170 = arith.constant -3.02831745 : f32
      %parallel_loop3A_171 = vector.broadcast %parallel_loop3A_170 : f32 to vector<16xf32>
      %parallel_loop3A_172 = arith.addf %parallel_loop3A_169, %parallel_loop3A_171 : vector<16xf32>
      %parallel_loop3A_173 = arith.addf %parallel_loop3A_172, %parallel_loop3A_139 : vector<16xf32>
      %parallel_loop3A_174 = arith.mulf %parallel_loop3A_81, %parallel_loop3A_173 : vector<16xf32>
      %parallel_loop3A_175 = math.exp %parallel_loop3A_174 : vector<16xf32>
      %parallel_loop3A_176 = arith.mulf %parallel_loop3A_82, %parallel_loop3A_175 : vector<16xf32>
      %parallel_loop3A_177 = arith.mulf %parallel_loop3A_176, %parallel_loop3A_131 : vector<16xf32>
      %parallel_loop3A_178 = arith.constant 0.000000e+00 : f32
      %parallel_loop3A_179 = vector.broadcast %parallel_loop3A_178 : f32 to vector<16xf32>
      %parallel_loop3A_180 = arith.select %parallel_loop3A_128, %parallel_loop3A_177, %parallel_loop3A_179 : vector<16xi1>, vector<16xf32>
      %parallel_loop3A_181 = arith.addf %parallel_loop3A_73, %parallel_loop3A_180 : vector<16xf32>
      %parallel_loop3A_182 = arith.mulf %parallel_loop3A_83, %parallel_loop3A_175 : vector<16xf32>
      %parallel_loop3A_183 = arith.mulf %parallel_loop3A_182, %parallel_loop3A_114 : vector<16xf32>
      %parallel_loop3A_184 = arith.constant 0.000000e+00 : f32
      %parallel_loop3A_185 = vector.broadcast %parallel_loop3A_184 : f32 to vector<16xf32>
      %parallel_loop3A_186 = arith.select %parallel_loop3A_128, %parallel_loop3A_183, %parallel_loop3A_185 : vector<16xi1>, vector<16xf32>
      %parallel_loop3A_187 = arith.mulf %parallel_loop3A_186, %parallel_loop3A_84 : vector<16xf32>
      %parallel_loop3A_188 = arith.addf %parallel_loop3A_70, %parallel_loop3A_187 : vector<16xf32>
      %parallel_loop3A_189 = arith.mulf %parallel_loop3A_186, %parallel_loop3A_85 : vector<16xf32>
      %parallel_loop3A_190 = arith.addf %parallel_loop3A_71, %parallel_loop3A_189 : vector<16xf32>
      %parallel_loop3A_191 = arith.mulf %parallel_loop3A_186, %parallel_loop3A_86 : vector<16xf32>
      %parallel_loop3A_192 = arith.addf %parallel_loop3A_72, %parallel_loop3A_191 : vector<16xf32>
      scf.yield %parallel_loop3A_188, %parallel_loop3A_190, %parallel_loop3A_192, %parallel_loop3A_181 : vector<16xf32>, vector<16xf32>, vector<16xf32>, vector<16xf32>
    } {sc.loop_unroll_factor = 4 : i64, sc.parallel_access}
    %swap3A = arith.constant 0 : index
    %swap3A_55 = tpu.vector_load %arg22[%swap3A] {strides = array<i32>} : memref<16xf32, #tpu.memory_space<vmem>>, vector<16xf32>,
    tpu.vector_store %arg22[%swap3A], %parallel_loop3A_54#0 {strides = array<i32>} : memref<16xf32, #tpu.memory_space<vmem>>, vector<16xf32>,
    %swap3A_56 = arith.constant 0 : index
    %swap3A_57 = tpu.vector_load %arg23[%swap3A_56] {strides = array<i32>} : memref<16xf32, #tpu.memory_space<vmem>>, vector<16xf32>,
    tpu.vector_store %arg23[%swap3A_56], %parallel_loop3A_54#1 {strides = array<i32>} : memref<16xf32, #tpu.memory_space<vmem>>, vector<16xf32>,
    %swap3A_58 = arith.constant 0 : index
    %swap3A_59 = tpu.vector_load %arg24[%swap3A_58] {strides = array<i32>} : memref<16xf32, #tpu.memory_space<vmem>>, vector<16xf32>,
    tpu.vector_store %arg24[%swap3A_58], %parallel_loop3A_54#2 {strides = array<i32>} : memref<16xf32, #tpu.memory_space<vmem>>, vector<16xf32>,
    %swap3A_60 = arith.constant 0 : index
    %swap3A_61 = tpu.vector_load %arg25[%swap3A_60] {strides = array<i32>} : memref<16xf32, #tpu.memory_space<vmem>>, vector<16xf32>,
    tpu.vector_store %arg25[%swap3A_60], %parallel_loop3A_54#3 {strides = array<i32>} : memref<16xf32, #tpu.memory_space<vmem>>, vector<16xf32>,
    %mul3A_62 = arith.constant 256 : i32
    %mul3A_63 = arith.muli %select_n3A_31, %mul3A_62 : i32
    %sub3A_64 = arith.constant 1792 : i32
    %sub3A_65 = arith.subi %add3A_35, %sub3A_64 : i32
    %add3A_66 = arith.addi %mul3A_63, %sub3A_65 : i32
    "tpu.region"() ({
      %run_scoped3A = tpu.sem_alloc : memref<!tpu.dma_semaphore, #tpu.memory_space<semaphore_mem>>
      %dma_start3A = tpu.memref_slice %arg10[%add3A_66] : memref<512xf32, #tpu.memory_space<hbm>> -> memref<16xf32, #tpu.memory_space<hbm>>
      %dma_start3A_69 = tpu.memref_slice %arg10[%add3A_66] : memref<512xf32, #tpu.memory_space<hbm>> -> memref<16xf32, #tpu.memory_space<hbm>>
      tpu.enqueue_dma source(%arg22 : memref<16xf32, #tpu.memory_space<vmem>>) target(%dma_start3A_69 : memref<16xf32, #tpu.memory_space<hbm>>) target_semaphore(%run_scoped3A : memref<!tpu.dma_semaphore, #tpu.memory_space<semaphore_mem>>)
      %dma_wait3A = tpu.memref_slice %arg10[%add3A_66] : memref<512xf32, #tpu.memory_space<hbm>> -> memref<16xf32, #tpu.memory_space<hbm>>
      %dma_wait3A_70 = tpu.memref_slice %arg10[%add3A_66] : memref<512xf32, #tpu.memory_space<hbm>> -> memref<16xf32, #tpu.memory_space<hbm>>
      tpu.wait_dma2 semaphore(%run_scoped3A : memref<!tpu.dma_semaphore, #tpu.memory_space<semaphore_mem>>) src(%arg22 : memref<16xf32, #tpu.memory_space<vmem>>) dst(%dma_wait3A_70 : memref<16xf32, #tpu.memory_space<hbm>>)
      tpu.yield
    }) : () -> ()
    "tpu.region"() ({
      %run_scoped3A = tpu.sem_alloc : memref<!tpu.dma_semaphore, #tpu.memory_space<semaphore_mem>>
      %dma_start3A = tpu.memref_slice %arg11[%add3A_66] : memref<512xf32, #tpu.memory_space<hbm>> -> memref<16xf32, #tpu.memory_space<hbm>>
      %dma_start3A_69 = tpu.memref_slice %arg11[%add3A_66] : memref<512xf32, #tpu.memory_space<hbm>> -> memref<16xf32, #tpu.memory_space<hbm>>
      tpu.enqueue_dma source(%arg23 : memref<16xf32, #tpu.memory_space<vmem>>) target(%dma_start3A_69 : memref<16xf32, #tpu.memory_space<hbm>>) target_semaphore(%run_scoped3A : memref<!tpu.dma_semaphore, #tpu.memory_space<semaphore_mem>>)
      %dma_wait3A = tpu.memref_slice %arg11[%add3A_66] : memref<512xf32, #tpu.memory_space<hbm>> -> memref<16xf32, #tpu.memory_space<hbm>>
      %dma_wait3A_70 = tpu.memref_slice %arg11[%add3A_66] : memref<512xf32, #tpu.memory_space<hbm>> -> memref<16xf32, #tpu.memory_space<hbm>>
      tpu.wait_dma2 semaphore(%run_scoped3A : memref<!tpu.dma_semaphore, #tpu.memory_space<semaphore_mem>>) src(%arg23 : memref<16xf32, #tpu.memory_space<vmem>>) dst(%dma_wait3A_70 : memref<16xf32, #tpu.memory_space<hbm>>)
      tpu.yield
    }) : () -> ()
    "tpu.region"() ({
      %run_scoped3A = tpu.sem_alloc : memref<!tpu.dma_semaphore, #tpu.memory_space<semaphore_mem>>
      %dma_start3A = tpu.memref_slice %arg12[%add3A_66] : memref<512xf32, #tpu.memory_space<hbm>> -> memref<16xf32, #tpu.memory_space<hbm>>
      %dma_start3A_69 = tpu.memref_slice %arg12[%add3A_66] : memref<512xf32, #tpu.memory_space<hbm>> -> memref<16xf32, #tpu.memory_space<hbm>>
      tpu.enqueue_dma source(%arg24 : memref<16xf32, #tpu.memory_space<vmem>>) target(%dma_start3A_69 : memref<16xf32, #tpu.memory_space<hbm>>) target_semaphore(%run_scoped3A : memref<!tpu.dma_semaphore, #tpu.memory_space<semaphore_mem>>)
      %dma_wait3A = tpu.memref_slice %arg12[%add3A_66] : memref<512xf32, #tpu.memory_space<hbm>> -> memref<16xf32, #tpu.memory_space<hbm>>
      %dma_wait3A_70 = tpu.memref_slice %arg12[%add3A_66] : memref<512xf32, #tpu.memory_space<hbm>> -> memref<16xf32, #tpu.memory_space<hbm>>
      tpu.wait_dma2 semaphore(%run_scoped3A : memref<!tpu.dma_semaphore, #tpu.memory_space<semaphore_mem>>) src(%arg24 : memref<16xf32, #tpu.memory_space<vmem>>) dst(%dma_wait3A_70 : memref<16xf32, #tpu.memory_space<hbm>>)
      tpu.yield
    }) : () -> ()
    %mul3A_67 = arith.constant 16 : i32
    %mul3A_68 = arith.muli %add3A, %mul3A_67 : i32
    "tpu.region"() ({
      %run_scoped3A = tpu.sem_alloc : memref<!tpu.dma_semaphore, #tpu.memory_space<semaphore_mem>>
      %dma_start3A = tpu.memref_slice %arg13[%mul3A_68] : memref<512xf32, #tpu.memory_space<hbm>> -> memref<16xf32, #tpu.memory_space<hbm>>
      %dma_start3A_69 = tpu.memref_slice %arg13[%mul3A_68] : memref<512xf32, #tpu.memory_space<hbm>> -> memref<16xf32, #tpu.memory_space<hbm>>
      tpu.enqueue_dma source(%arg25 : memref<16xf32, #tpu.memory_space<vmem>>) target(%dma_start3A_69 : memref<16xf32, #tpu.memory_space<hbm>>) target_semaphore(%run_scoped3A : memref<!tpu.dma_semaphore, #tpu.memory_space<semaphore_mem>>)
      %dma_wait3A = tpu.memref_slice %arg13[%mul3A_68] : memref<512xf32, #tpu.memory_space<hbm>> -> memref<16xf32, #tpu.memory_space<hbm>>
      %dma_wait3A_70 = tpu.memref_slice %arg13[%mul3A_68] : memref<512xf32, #tpu.memory_space<hbm>> -> memref<16xf32, #tpu.memory_space<hbm>>
      tpu.wait_dma2 semaphore(%run_scoped3A : memref<!tpu.dma_semaphore, #tpu.memory_space<semaphore_mem>>) src(%arg25 : memref<16xf32, #tpu.memory_space<vmem>>) dst(%dma_wait3A_70 : memref<16xf32, #tpu.memory_space<hbm>>)
      tpu.yield
    }) : () -> ()
    return
  }
}

module attributes {stable_mosaic.version = 14 : i64} {
  func.func @_tc_body(%arg0: i32, %arg1: memref<896x3xf32, #tpu.memory_space<vmem>>, %arg2: memref<3x2048xf32, #tpu.memory_space<vmem>>, %arg3: memref<896x1xi32, #tpu.memory_space<vmem>>, %arg4: memref<1x2048xi32, #tpu.memory_space<vmem>>, %arg5: memref<2048x3xf32, #tpu.memory_space<vmem>>, %arg6: memref<4x4xf32, #tpu.memory_space<vmem>>, %arg7: memref<4x4xf32, #tpu.memory_space<vmem>>, %arg8: memref<4x4xf32, #tpu.memory_space<vmem>>, %arg9: memref<1x1xf32, #tpu.memory_space<vmem>>, %arg10: memref<896x3xf32, #tpu.memory_space<vmem>>) attributes {dimension_semantics = [#tpu.dimension_semantics<arbitrary>], iteration_bounds = array<i64: 2>, scalar_prefetch = 0 : i64, scratch_operands = 0 : i64, tpu.core_type = #tpu.core_type<tc>, window_params = [{transform_indices = @transform_0, window_bounds = array<i64: 896, 3>}, {pipeline_mode = #tpu.pipeline_mode<synchronous>, transform_indices = @transform_1, window_bounds = array<i64: 3, 2048>}, {transform_indices = @transform_2, window_bounds = array<i64: 896, 1>}, {pipeline_mode = #tpu.pipeline_mode<synchronous>, transform_indices = @transform_3, window_bounds = array<i64: 1, 2048>}, {pipeline_mode = #tpu.pipeline_mode<synchronous>, transform_indices = @transform_4, window_bounds = array<i64: 2048, 3>}, {pipeline_mode = #tpu.pipeline_mode<synchronous>, transform_indices = @transform_5, window_bounds = array<i64: 4, 4>}, {pipeline_mode = #tpu.pipeline_mode<synchronous>, transform_indices = @transform_6, window_bounds = array<i64: 4, 4>}, {pipeline_mode = #tpu.pipeline_mode<synchronous>, transform_indices = @transform_7, window_bounds = array<i64: 4, 4>}, {pipeline_mode = #tpu.pipeline_mode<synchronous>, transform_indices = @transform_8, window_bounds = array<i64: 1, 1>}, {transform_indices = @transform_9, window_bounds = array<i64: 896, 3>}]} {
    %get3A = arith.constant 0 : index
    %get3A_0 = arith.constant 0 : index
    %get3A_1 = vector.load %arg2[%get3A, %get3A_0] : memref<3x2048xf32, #tpu.memory_space<vmem>>, vector<1x2048xf32>
    %get3A_2 = arith.constant 1 : index
    %get3A_3 = arith.constant 0 : index
    %get3A_4 = vector.load %arg2[%get3A_2, %get3A_3] : memref<3x2048xf32, #tpu.memory_space<vmem>>, vector<1x2048xf32>
    %get3A_5 = arith.constant 2 : index
    %get3A_6 = arith.constant 0 : index
    %get3A_7 = vector.load %arg2[%get3A_5, %get3A_6] : memref<3x2048xf32, #tpu.memory_space<vmem>>, vector<1x2048xf32>
    %get3A_8 = arith.constant 0 : index
    %get3A_9 = arith.constant 0 : index
    %get3A_10 = vector.load %arg1[%get3A_8, %get3A_9] : memref<896x3xf32, #tpu.memory_space<vmem>>, vector<896x1xf32>
    %get3A_11 = arith.constant 0 : index
    %get3A_12 = arith.constant 1 : index
    %get3A_13 = vector.load %arg1[%get3A_11, %get3A_12] : memref<896x3xf32, #tpu.memory_space<vmem>>, vector<896x1xf32>
    %get3A_14 = arith.constant 0 : index
    %get3A_15 = arith.constant 2 : index
    %get3A_16 = vector.load %arg1[%get3A_14, %get3A_15] : memref<896x3xf32, #tpu.memory_space<vmem>>, vector<896x1xf32>
    %sub3A = vector.broadcast %get3A_1 : vector<1x2048xf32> to vector<896x2048xf32>
    %sub3A_17 = vector.broadcast %get3A_10 : vector<896x1xf32> to vector<896x2048xf32>
    %sub3A_18 = arith.subf %sub3A, %sub3A_17 : vector<896x2048xf32>
    %sub3A_19 = vector.broadcast %get3A_4 : vector<1x2048xf32> to vector<896x2048xf32>
    %sub3A_20 = vector.broadcast %get3A_13 : vector<896x1xf32> to vector<896x2048xf32>
    %sub3A_21 = arith.subf %sub3A_19, %sub3A_20 : vector<896x2048xf32>
    %sub3A_22 = vector.broadcast %get3A_7 : vector<1x2048xf32> to vector<896x2048xf32>
    %sub3A_23 = vector.broadcast %get3A_16 : vector<896x1xf32> to vector<896x2048xf32>
    %sub3A_24 = arith.subf %sub3A_22, %sub3A_23 : vector<896x2048xf32>
    %mul3A = arith.mulf %sub3A_18, %sub3A_18 : vector<896x2048xf32>
    %mul3A_25 = arith.mulf %sub3A_21, %sub3A_21 : vector<896x2048xf32>
    %add3A = arith.addf %mul3A, %mul3A_25 : vector<896x2048xf32>
    %mul3A_26 = arith.mulf %sub3A_24, %sub3A_24 : vector<896x2048xf32>
    %add3A_27 = arith.addf %add3A, %mul3A_26 : vector<896x2048xf32>
    %rsqrt3A = math.rsqrt %add3A_27 : vector<896x2048xf32>
    %mul3A_28 = arith.mulf %add3A_27, %rsqrt3A : vector<896x2048xf32>
    %get3A_29 = arith.constant 0 : index
    %get3A_30 = arith.constant 0 : index
    %get3A_31 = vector.load %arg3[%get3A_29, %get3A_30] : memref<896x1xi32, #tpu.memory_space<vmem>>, vector<896x1xi32>
    %iota3A = tpu.iota {dimensions = array<i32: 1>} : vector<896x4xi32>
    %eq3A = vector.broadcast %get3A_31 : vector<896x1xi32> to vector<896x4xi32>
    %eq3A_32 = arith.cmpi eq, %eq3A, %iota3A : vector<896x4xi32>
    %convert_element_type3A = arith.extui %eq3A_32 : vector<896x4xi1> to vector<896x4xi32>
    %convert_element_type3A_33 = arith.sitofp %convert_element_type3A : vector<896x4xi32> to vector<896x4xf32>
    %get3A_34 = arith.constant 0 : index
    %get3A_35 = arith.constant 0 : index
    %get3A_36 = vector.load %arg4[%get3A_34, %get3A_35] : memref<1x2048xi32, #tpu.memory_space<vmem>>, vector<1x2048xi32>
    %iota3A_37 = tpu.iota {dimensions = array<i32: 0>} : vector<4x2048xi32>
    %eq3A_38 = vector.broadcast %get3A_36 : vector<1x2048xi32> to vector<4x2048xi32>
    %eq3A_39 = arith.cmpi eq, %eq3A_38, %iota3A_37 : vector<4x2048xi32>
    %convert_element_type3A_40 = arith.extui %eq3A_39 : vector<4x2048xi1> to vector<4x2048xi32>
    %convert_element_type3A_41 = arith.sitofp %convert_element_type3A_40 : vector<4x2048xi32> to vector<4x2048xf32>
    %get3A_42 = arith.constant 0 : index
    %get3A_43 = arith.constant 0 : index
    %get3A_44 = vector.load %arg6[%get3A_42, %get3A_43] : memref<4x4xf32, #tpu.memory_space<vmem>>, vector<4x4xf32>
    %div3A = arith.constant 1.000000e+00 : f32
    %div3A_45 = vector.broadcast %div3A : f32 to vector<4x4xf32>
    %div3A_46 = arith.divf %div3A_45, %get3A_44 : vector<4x4xf32>
    %dot_general3A = arith.constant dense<0.000000e+00> : vector<896x4xf32>
    %dot_general3A_47 = tpu.matmul %convert_element_type3A_33, %div3A_46, %dot_general3A {dimension_numbers = #tpu.dot_dimension_numbers<[1], [0], [0], [1], [0, 0, 1, 1], [], []>, transpose_lhs_hint = false} : vector<896x4xf32>, vector<4x4xf32>, vector<896x4xf32> -> vector<896x4xf32>
    %dot_general3A_48 = arith.constant dense<0.000000e+00> : vector<896x2048xf32>
    %dot_general3A_49 = tpu.matmul %dot_general3A_47, %convert_element_type3A_41, %dot_general3A_48 {dimension_numbers = #tpu.dot_dimension_numbers<[1], [0], [0], [1], [0, 0, 1, 1], [], []>, transpose_lhs_hint = false} : vector<896x4xf32>, vector<4x2048xf32>, vector<896x2048xf32> -> vector<896x2048xf32>
    %get3A_50 = arith.constant 0 : index
    %get3A_51 = arith.constant 0 : index
    %get3A_52 = vector.load %arg7[%get3A_50, %get3A_51] : memref<4x4xf32, #tpu.memory_space<vmem>>, vector<4x4xf32>
    %sub3A_53 = arith.constant 1.000000e+00 : f32
    %sub3A_54 = vector.broadcast %sub3A_53 : f32 to vector<4x4xf32>
    %sub3A_55 = arith.subf %get3A_52, %sub3A_54 : vector<4x4xf32>
    %dot_general3A_56 = arith.constant dense<0.000000e+00> : vector<896x4xf32>
    %dot_general3A_57 = tpu.matmul %convert_element_type3A_33, %sub3A_55, %dot_general3A_56 {dimension_numbers = #tpu.dot_dimension_numbers<[1], [0], [0], [1], [0, 0, 1, 1], [], []>, transpose_lhs_hint = false} : vector<896x4xf32>, vector<4x4xf32>, vector<896x4xf32> -> vector<896x4xf32>
    %dot_general3A_58 = arith.constant dense<0.000000e+00> : vector<896x2048xf32>
    %dot_general3A_59 = tpu.matmul %dot_general3A_57, %convert_element_type3A_41, %dot_general3A_58 {dimension_numbers = #tpu.dot_dimension_numbers<[1], [0], [0], [1], [0, 0, 1, 1], [], []>, transpose_lhs_hint = false} : vector<896x4xf32>, vector<4x2048xf32>, vector<896x2048xf32> -> vector<896x2048xf32>
    %get3A_60 = arith.constant 0 : index
    %get3A_61 = arith.constant 0 : index
    %get3A_62 = vector.load %arg8[%get3A_60, %get3A_61] : memref<4x4xf32, #tpu.memory_space<vmem>>, vector<4x4xf32>
    %get3A_63 = arith.constant 0 : index
    %get3A_64 = arith.constant 0 : index
    %get3A_65 = vector.load %arg7[%get3A_63, %get3A_64] : memref<4x4xf32, #tpu.memory_space<vmem>>, vector<4x4xf32>
    %div3A_66 = arith.divf %get3A_62, %get3A_65 : vector<4x4xf32>
    %dot_general3A_67 = arith.constant dense<0.000000e+00> : vector<896x4xf32>
    %dot_general3A_68 = tpu.matmul %convert_element_type3A_33, %div3A_66, %dot_general3A_67 {dimension_numbers = #tpu.dot_dimension_numbers<[1], [0], [0], [1], [0, 0, 1, 1], [], []>, transpose_lhs_hint = false} : vector<896x4xf32>, vector<4x4xf32>, vector<896x4xf32> -> vector<896x4xf32>
    %dot_general3A_69 = arith.constant dense<0.000000e+00> : vector<896x2048xf32>
    %dot_general3A_70 = tpu.matmul %dot_general3A_68, %convert_element_type3A_41, %dot_general3A_69 {dimension_numbers = #tpu.dot_dimension_numbers<[1], [0], [0], [1], [0, 0, 1, 1], [], []>, transpose_lhs_hint = false} : vector<896x4xf32>, vector<4x2048xf32>, vector<896x2048xf32> -> vector<896x2048xf32>
    %get3A_71 = arith.constant 0 : index
    %get3A_72 = arith.constant 0 : index
    %get3A_73 = vector.load %arg8[%get3A_71, %get3A_72] : memref<4x4xf32, #tpu.memory_space<vmem>>, vector<4x4xf32>
    %neg3A = arith.constant 0.000000e+00 : f32
    %neg3A_74 = vector.broadcast %neg3A : f32 to vector<4x4xf32>
    %neg3A_75 = arith.subf %neg3A_74, %get3A_73 : vector<4x4xf32>
    %get3A_76 = arith.constant 0 : index
    %get3A_77 = arith.constant 0 : index
    %get3A_78 = vector.load %arg6[%get3A_76, %get3A_77] : memref<4x4xf32, #tpu.memory_space<vmem>>, vector<4x4xf32>
    %div3A_79 = arith.divf %neg3A_75, %get3A_78 : vector<4x4xf32>
    %dot_general3A_80 = arith.constant dense<0.000000e+00> : vector<896x4xf32>
    %dot_general3A_81 = tpu.matmul %convert_element_type3A_33, %div3A_79, %dot_general3A_80 {dimension_numbers = #tpu.dot_dimension_numbers<[1], [0], [0], [1], [0, 0, 1, 1], [], []>, transpose_lhs_hint = false} : vector<896x4xf32>, vector<4x4xf32>, vector<896x4xf32> -> vector<896x4xf32>
    %dot_general3A_82 = arith.constant dense<0.000000e+00> : vector<896x2048xf32>
    %dot_general3A_83 = tpu.matmul %dot_general3A_81, %convert_element_type3A_41, %dot_general3A_82 {dimension_numbers = #tpu.dot_dimension_numbers<[1], [0], [0], [1], [0, 0, 1, 1], [], []>, transpose_lhs_hint = false} : vector<896x4xf32>, vector<4x2048xf32>, vector<896x2048xf32> -> vector<896x2048xf32>
    %mul3A_84 = arith.mulf %mul3A_28, %dot_general3A_49 : vector<896x2048xf32>
    %sub3A_85 = arith.constant 1.000000e+00 : f32
    %sub3A_86 = vector.broadcast %sub3A_85 : f32 to vector<896x2048xf32>
    %sub3A_87 = arith.subf %sub3A_86, %mul3A_84 : vector<896x2048xf32>
    %gt3A = arith.constant 0.000000e+00 : f32
    %gt3A_88 = vector.broadcast %gt3A : f32 to vector<896x2048xf32>
    %gt3A_89 = arith.cmpf ogt, %add3A_27, %gt3A_88 : vector<896x2048xf32>
    %lt3A = arith.constant 1.000000e+00 : f32
    %lt3A_90 = vector.broadcast %lt3A : f32 to vector<896x2048xf32>
    %lt3A_91 = arith.cmpf olt, %mul3A_28, %lt3A_90 : vector<896x2048xf32>
    %and3A = arith.andi %gt3A_89, %lt3A_91 : vector<896x2048xi1>
    %gt3A_92 = arith.constant 0.000000e+00 : f32
    %gt3A_93 = vector.broadcast %gt3A_92 : f32 to vector<896x2048xf32>
    %gt3A_94 = arith.cmpf ogt, %sub3A_87, %gt3A_93 : vector<896x2048xf32>
    %and3A_95 = arith.andi %and3A, %gt3A_94 : vector<896x2048xi1>
    %jit3A = arith.constant 1.000000e+00 : f32
    %broadcast_in_dim3A = vector.broadcast %jit3A : f32 to vector<896x2048xf32>
    %select_n3A = arith.select %and3A_95, %sub3A_87, %broadcast_in_dim3A : vector<896x2048xi1>, vector<896x2048xf32>
    %log3A = math.log %select_n3A : vector<896x2048xf32>
    %mul3A_96 = arith.mulf %dot_general3A_59, %log3A : vector<896x2048xf32>
    %exp3A = math.exp %mul3A_96 : vector<896x2048xf32>
    %mul3A_97 = arith.mulf %exp3A, %select_n3A : vector<896x2048xf32>
    %mul3A_98 = arith.mulf %dot_general3A_70, %mul3A_97 : vector<896x2048xf32>
    %jit3A_99 = arith.constant 0.000000e+00 : f32
    %broadcast_in_dim3A_100 = vector.broadcast %jit3A_99 : f32 to vector<896x2048xf32>
    %select_n3A_101 = arith.select %and3A_95, %mul3A_98, %broadcast_in_dim3A_100 : vector<896x2048xi1>, vector<896x2048xf32>
    %mul3A_102 = arith.mulf %dot_general3A_83, %exp3A : vector<896x2048xf32>
    %mul3A_103 = arith.mulf %mul3A_102, %rsqrt3A : vector<896x2048xf32>
    %jit3A_104 = arith.constant 0.000000e+00 : f32
    %broadcast_in_dim3A_105 = vector.broadcast %jit3A_104 : f32 to vector<896x2048xf32>
    %select_n3A_106 = arith.select %and3A_95, %mul3A_103, %broadcast_in_dim3A_105 : vector<896x2048xi1>, vector<896x2048xf32>
    %reduce_sum3A = arith.constant dense<0.000000e+00> : vector<896xf32>
    %reduce_sum3A_107 = vector.multi_reduction <add>, %select_n3A_106, %reduce_sum3A [1] : vector<896x2048xf32> to vector<896xf32>
    %broadcast_in_dim3A_108 = vector.shape_cast %reduce_sum3A_107 : vector<896xf32> to vector<896x1xf32>
    %get3A_109 = arith.constant 0 : index
    %get3A_110 = arith.constant 0 : index
    %get3A_111 = vector.load %arg5[%get3A_109, %get3A_110] : memref<2048x3xf32, #tpu.memory_space<vmem>>, vector<2048x3xf32>
    %dot_general3A_112 = arith.constant dense<0.000000e+00> : vector<896x3xf32>
    %dot_general3A_113 = tpu.matmul %select_n3A_106, %get3A_111, %dot_general3A_112 {dimension_numbers = #tpu.dot_dimension_numbers<[1], [0], [0], [1], [0, 0, 1, 1], [], []>, transpose_lhs_hint = false} : vector<896x2048xf32>, vector<2048x3xf32>, vector<896x3xf32> -> vector<896x3xf32>
    %get3A_114 = arith.constant 0 : index
    %get3A_115 = arith.constant 0 : index
    %get3A_116 = vector.load %arg1[%get3A_114, %get3A_115] : memref<896x3xf32, #tpu.memory_space<vmem>>, vector<896x3xf32>
    %mul3A_117 = vector.broadcast %broadcast_in_dim3A_108 : vector<896x1xf32> to vector<896x3xf32>
    %mul3A_118 = arith.mulf %mul3A_117, %get3A_116 : vector<896x3xf32>
    %sub3A_119 = arith.subf %dot_general3A_113, %mul3A_118 : vector<896x3xf32>
    %swap3A = arith.constant 0 : index
    %swap3A_120 = arith.constant 0 : index
    %swap3A_121 = vector.load %arg10[%swap3A, %swap3A_120] : memref<896x3xf32, #tpu.memory_space<vmem>>, vector<896x3xf32>
    tpu.vector_store %arg10[%swap3A, %swap3A_120], %sub3A_119 {strides = array<i32>} : memref<896x3xf32, #tpu.memory_space<vmem>>, vector<896x3xf32>,
    %eq3A_122 = arith.constant 0 : i32
    %eq3A_123 = arith.cmpi eq, %arg0, %eq3A_122 : i32
    %convert_element_type3A_124 = arith.extui %eq3A_123 : i1 to i32
    %cond3A = arith.constant 0 : i32
    %cond3A_125 = arith.cmpi ne, %convert_element_type3A_124, %cond3A : i32
    scf.if %cond3A_125 {
      %broadcast_in_dim3A_142 = arith.constant 0.000000e+00 : f32
      %broadcast_in_dim3A_143 = vector.broadcast %broadcast_in_dim3A_142 : f32 to vector<1x1xf32>
      %swap3A_144 = arith.constant 0 : index
      %swap3A_145 = arith.constant 0 : index
      %swap3A_146 = vector.load %arg9[%swap3A_144, %swap3A_145] : memref<1x1xf32, #tpu.memory_space<vmem>>, vector<1x1xf32>
      tpu.vector_store %arg9[%swap3A_144, %swap3A_145], %broadcast_in_dim3A_143 {strides = array<i32>} : memref<1x1xf32, #tpu.memory_space<vmem>>, vector<1x1xf32>,
    } else {
    }
    %get3A_126 = arith.constant 0 : index
    %get3A_127 = arith.constant 0 : index
    %get3A_128 = vector.load %arg9[%get3A_126, %get3A_127] : memref<1x1xf32, #tpu.memory_space<vmem>>, vector<1x1xf32>
    %reduce_sum3A_129 = vector.shape_cast %select_n3A_101 : vector<896x2048xf32> to vector<1x896x2048xf32>
    %reduce_sum3A_130 = arith.constant dense<0.000000e+00> : vector<1xf32>
    %reduce_sum3A_131 = vector.multi_reduction <add>, %reduce_sum3A_129, %reduce_sum3A_130 [1, 2] : vector<1x896x2048xf32> to vector<1xf32>
    %reduce_sum3A_132 = vector.shape_cast %reduce_sum3A_131 : vector<1xf32> to vector<1x1x1xf32>
    %reduce_sum3A_133 = vector.extract %reduce_sum3A_132[0, 0, 0] : f32 from vector<1x1x1xf32>
    %broadcast_in_dim3A_134 = vector.broadcast %reduce_sum3A_133 : f32 to vector<1x1xf32>
    %mul3A_135 = arith.constant 5.000000e-01 : f32
    %mul3A_136 = vector.broadcast %mul3A_135 : f32 to vector<1x1xf32>
    %mul3A_137 = arith.mulf %mul3A_136, %broadcast_in_dim3A_134 : vector<1x1xf32>
    %add3A_138 = arith.addf %get3A_128, %mul3A_137 : vector<1x1xf32>
    %swap3A_139 = arith.constant 0 : index
    %swap3A_140 = arith.constant 0 : index
    %swap3A_141 = vector.load %arg9[%swap3A_139, %swap3A_140] : memref<1x1xf32, #tpu.memory_space<vmem>>, vector<1x1xf32>
    tpu.vector_store %arg9[%swap3A_139, %swap3A_140], %add3A_138 {strides = array<i32>} : memref<1x1xf32, #tpu.memory_space<vmem>>, vector<1x1xf32>,
    return
  }
  func.func @transform_0(%arg0: i32) -> (i32, i32) {
    %c0_i32 = arith.constant 0 : i32
    %c0_i32_0 = arith.constant 0 : i32
    return %arg0, %c0_i32 : i32, i32
  }
  func.func @transform_1(%arg0: i32) -> (i32, i32) {
    %c0_i32 = arith.constant 0 : i32
    %c0_i32_0 = arith.constant 0 : i32
    %c0_i32_1 = arith.constant 0 : i32
    return %c0_i32, %c0_i32_0 : i32, i32
  }
  func.func @transform_2(%arg0: i32) -> (i32, i32) {
    %c0_i32 = arith.constant 0 : i32
    %c0_i32_0 = arith.constant 0 : i32
    return %arg0, %c0_i32 : i32, i32
  }
  func.func @transform_3(%arg0: i32) -> (i32, i32) {
    %c0_i32 = arith.constant 0 : i32
    %c0_i32_0 = arith.constant 0 : i32
    %c0_i32_1 = arith.constant 0 : i32
    return %c0_i32, %c0_i32_0 : i32, i32
  }
  func.func @transform_4(%arg0: i32) -> (i32, i32) {
    %c0_i32 = arith.constant 0 : i32
    %c0_i32_0 = arith.constant 0 : i32
    %c0_i32_1 = arith.constant 0 : i32
    return %c0_i32, %c0_i32_0 : i32, i32
  }
  func.func @transform_5(%arg0: i32) -> (i32, i32) {
    %c0_i32 = arith.constant 0 : i32
    %c0_i32_0 = arith.constant 0 : i32
    %c0_i32_1 = arith.constant 0 : i32
    return %c0_i32, %c0_i32_0 : i32, i32
  }
  func.func @transform_6(%arg0: i32) -> (i32, i32) {
    %c0_i32 = arith.constant 0 : i32
    %c0_i32_0 = arith.constant 0 : i32
    %c0_i32_1 = arith.constant 0 : i32
    return %c0_i32, %c0_i32_0 : i32, i32
  }
  func.func @transform_7(%arg0: i32) -> (i32, i32) {
    %c0_i32 = arith.constant 0 : i32
    %c0_i32_0 = arith.constant 0 : i32
    %c0_i32_1 = arith.constant 0 : i32
    return %c0_i32, %c0_i32_0 : i32, i32
  }
  func.func @transform_8(%arg0: i32) -> (i32, i32) {
    %c0_i32 = arith.constant 0 : i32
    %c0_i32_0 = arith.constant 0 : i32
    %c0_i32_1 = arith.constant 0 : i32
    return %c0_i32, %c0_i32_0 : i32, i32
  }
  func.func @transform_9(%arg0: i32) -> (i32, i32) {
    %c0_i32 = arith.constant 0 : i32
    %c0_i32_0 = arith.constant 0 : i32
    return %arg0, %c0_i32 : i32, i32
  }
}

</mosaic_0001>

<sc_bundles>
// kernel: kernel.4.cloned.1.call-start
scs
__scs_entry_jumppad:
0x0: {  	(pc) =	sbr.rel $0x88, $3  }
0x1: {  	(tag) =	ssettag $0x0;
	lr =	simm.s32 $0x1  }
0x2: {  	[smem:$0x3F9C] =	sst lr;
	_ =	strace $0xD0000000  }
0x3: {  	_ = 	snop  }
0x4: {  	_ = 	snop  }
0x5: {  	_ = 	snop  }
0x6: {  	_ = 	snop  }
0x7: {  	_ = 	snop  }
__scs_overlays_trampoline_lowered:
0x8: {  	[smem:$0x3FAB] =	sst s0  }
0x9: {  	[smem:$0x3FAC] =	sst s1  }
0xa: {  	[smem:$0x3FAD] =	sst s2  }
0xb: {  	[smem:$0x3FAE] =	sst s3  }
0xc: {  	[smem:$0x3FAF] =	sst s4  }
0xd: {  	[smem:$0x3FB0] =	sst s5  }
0xe: {  	[smem:$0x3FB1] =	sst s6  }
0xf: {  	[smem:$0x3FB2] =	sst s7  }
0x10: {  	[smem:$0x3FB3] =	sst s8  }
0x11: {  	[smem:$0x3FB4] =	sst s9;
	s0 =	simm.s32 @!p0 $0x0  }
0x12: {  	s1 =	sld [smem:$0x3F9A];
	s0 =	simm.s32 @p0 $0x1  }
0x13: {  	[smem:$0x3FB5] =	sst s0;
	s0 =	simm.s32 @!p1 $0x0  }
0x14: {  	s2 =	sld [smem:$0x3F99];
	s0 =	simm.s32 @p1 $0x1  }
0x15: {  	[smem:$0x3FB6] =	sst s0;
	s0 =	simm.s32 @!p2 $0x0  }
0x16: {  	s3 =	sld [smem:$0x3FDB];
	s0 =	simm.s32 @p2 $0x1  }
0x17: {  	s4 =	simm.s32 $0x1BF5;
	[smem:$0x3FB8] =	sst s0  }
0x18: {  	s0 =	sld [smem:$0x3F9B];
	_ =	swait.ge [sflag:s4], $0x0  }
0x19: {  	s7 =	sld [smem:$0x3F9C]  }
0x1a: {  	s8 =	sadd.s32 $0xFFFFE003, lr  }
0x1b: {  	s9 =	sadd.s32 $0xFFFFFEF7, lr;
	s5 =	simm.s32 $0xFFFFFFFF;
	p2 =	slt.u32 s8, $0xFFFFF086  }
0x1c: {  	p1 =	slt.u32 s9, $0xF7A;
	s5 =	simm.s32 @!p2 $0x0  }
0x1d: {  	s5 =	simm.s32 @p1 $0x1;
	p0 =	seq.s32 s7, s2  }
0x1e: {  	s7 =	smul.u32 @!p0 $0xF7A, s2;
	p2 =	seq.s32 @!p0 s5, $0x0  }
0x1f: {  	s9 =	smul.u32 $0xF7A, s1;
	s8 =	simm.s32 @!p0 $0x1BF5;
	p2 =	por !p2, p0  }
0x20: {  	[sflag:s8] =	ssyncset.s32 @!p0 $0xFFFFF086;
	s6 =	sadd.s32 @!p0 s3, s7;
	s7 =	simm.s32 @!p0 $0x108  }
0x21: {  	s3 =	sadd.s32 s3, s9;
	s6 =	sadd.s32 @!p0 $0x88, s6;
	s7 =	simm.s32 @p2 $0x1082  }
0x22: {  	[simem:s7], [sflag:s8] =	dma.local @!p0 [hbm:s6], $0xF7A  }
0x23: {  	s9 =	sor.u32 $0xD0000000, s2;
	s6 =	simm.s32 $0x108;
	_ =	swait.ge @!p0 [sflag:s8], $0x0  }
0x24: {  	s3 =	sadd.s32 $0x88, s3;
	s6 =	simm.s32 @!p1 $0x1082;
	[sflag:s4] =	ssyncset.s32 $0xFFFFF086  }
0x25: {  	[simem:s6], [sflag:s4] =	dma.local [hbm:s3], $0xF7A  }
0x26: {  	[smem:$0x3F9C] =	sst s1;
	(tag) =	ssettag s2;
	_ =	strace s9  }
0x27: {  	s1 =	sld [smem:$0x3FAC]  }
0x28: {  	s2 =	sld [smem:$0x3FAD]  }
0x29: {  	s4 =	sld [smem:$0x3FAF]  }
0x2a: {  	p0 =	seq.s32 s5, $0x0;
	s5 =	sld [smem:$0x3FB0]  }
0x2b: {  	s6 =	sld [smem:$0x3FB1]  }
0x2c: {  	s7 =	sld [smem:$0x3FB2]  }
0x2d: {  	s3 =	simm.s32 $0x108;
	s8 =	sld [smem:$0x3FB3]  }
0x2e: {  	s3 =	simm.s32 @!p0 $0x1082;
	s9 =	sld [smem:$0x3FB4]  }
0x2f: {  	lr =	sadd.s32 s0, s3;
	s0 =	sld [smem:$0x3FAB]  }
0x30: {  	s3 =	sld [smem:$0x3FAE]  }
0x31: {  	[smem:$0x3FB7] =	sst s10  }
0x32: {  	s10 =	sld [smem:$0x3FB5];
	_ =	sdelay $0x3  }
0x33: {  	p0 =	seq.s32 s10, $0x1;
	s10 =	sld [smem:$0x3FB7];
	_ =	sdelay $0x3  }
0x34: {  	[smem:$0x3FB7] =	sst s10  }
0x35: {  	s10 =	sld [smem:$0x3FB6];
	_ =	sdelay $0x3  }
0x36: {  	p1 =	seq.s32 s10, $0x1;
	s10 =	sld [smem:$0x3FB7];
	_ =	sdelay $0x3  }
0x37: {  	[smem:$0x3FB7] =	sst s10  }
0x38: {  	s10 =	sld [smem:$0x3FB8]  }
0x39: {  	_ = 	snop;
	(pc) =	sbr.ind lr, $3  }
0x3a: {  	_ = 	snop  }
0x3b: {  	_ = 	snop  }
0x3c: {  	p2 =	seq.s32 s10, $0x1;
	s10 =	sld [smem:$0x3FB7]  }
0x3d: {  	_ =	shalt  }
0x3e: {  	_ =	shalt  }
0x3f: {  	_ =	shalt  }
0x40: {  	_ =	shalt  }
0x41: {  	_ =	shalt  }
0x42: {  	_ =	shalt  }
0x43: {  	_ =	shalt  }
0x44: {  	_ =	shalt  }
0x45: {  	_ =	shalt  }
0x46: {  	_ =	shalt  }
0x47: {  	_ =	shalt  }
0x48: {  	_ =	shalt  }
0x49: {  	_ =	shalt  }
0x4a: {  	_ =	shalt  }
0x4b: {  	_ =	shalt  }
0x4c: {  	_ =	shalt  }
0x4d: {  	_ =	shalt  }
0x4e: {  	_ =	shalt  }
0x4f: {  	_ =	shalt  }
0x50: {  	_ =	shalt  }
0x51: {  	_ =	shalt  }
0x52: {  	_ =	shalt  }
0x53: {  	_ =	shalt  }
0x54: {  	_ =	shalt  }
0x55: {  	_ =	shalt  }
0x56: {  	_ =	shalt  }
0x57: {  	_ =	shalt  }
0x58: {  	_ =	shalt  }
0x59: {  	_ =	shalt  }
0x5a: {  	_ =	shalt  }
0x5b: {  	_ =	shalt  }
0x5c: {  	_ =	shalt  }
0x5d: {  	_ =	shalt  }
0x5e: {  	_ =	shalt  }
0x5f: {  	_ =	shalt  }
0x60: {  	_ =	shalt  }
0x61: {  	_ =	shalt  }
0x62: {  	_ =	shalt  }
0x63: {  	_ =	shalt  }
0x64: {  	_ =	shalt  }
0x65: {  	_ =	shalt  }
0x66: {  	_ =	shalt  }
0x67: {  	_ =	shalt  }
0x68: {  	_ =	shalt  }
0x69: {  	_ =	shalt  }
0x6a: {  	_ =	shalt  }
0x6b: {  	_ =	shalt  }
0x6c: {  	_ =	shalt  }
0x6d: {  	_ =	shalt  }
0x6e: {  	_ =	shalt  }
0x6f: {  	_ =	shalt  }
0x70: {  	_ =	shalt  }
0x71: {  	_ =	shalt  }
0x72: {  	_ =	shalt  }
0x73: {  	_ =	shalt  }
0x74: {  	_ =	shalt  }
0x75: {  	_ =	shalt  }
0x76: {  	_ =	shalt  }
0x77: {  	_ =	shalt  }
0x78: {  	_ =	shalt  }
0x79: {  	_ =	shalt  }
0x7a: {  	_ =	shalt  }
0x7b: {  	_ =	shalt  }
0x7c: {  	_ =	shalt  }
0x7d: {  	_ =	shalt  }
0x7e: {  	_ =	shalt  }
0x7f: {  	_ =	shalt  }
0x80: {  	_ =	shalt  }
0x81: {  	_ =	shalt  }
0x82: {  	_ =	shalt  }
0x83: {  	_ =	shalt  }
0x84: {  	_ =	shalt  }
0x85: {  	_ =	shalt  }
0x86: {  	_ =	shalt  }
0x87: {  	_ =	shalt  }
.Lfunc_end0:
.L_simem_size_0:
called_computation_lowered:
.L_overlay_start_0:
0x88: {  	s2 =	sld [smem:$0x3FD9]  }
0x89: {  	s3 =	sld [smem:$0x3FFE];
	_ =	sdelay $0x1  }
0x8a: {  	s1 =	srdreg.scid  }
0x8b: {  	s0 =	sand.u32 $0x1, s1  }
0x8c: {  	s14 =	sshll.u32 s0, $0xA;
	s2 =	sadd.s32 s3, s2  }
0x8d: {  	s2 =	sadd.s32 s2, s14  }
0x8e: {  	[smem:$0x3FC3] =	sst s2  }
0x8f: {  	_ = 	snop  }
0x90: {  	s2 =	sld [smem:$0x3FD0];
	_ =	sdelay $0x2  }
0x91: {  	s4 =	simm.s32 $0xA;
	s5 =	simm.s32 $0x10;
	s15 =	sld [smem:$0x3FC8]  }
0x92: {  	[smem:s5], [sflag:s4] =	dma.local [hbm:s2], $0x1  }
0x93: {  	_ =	swait.eq [sflag:s4], $0x1  }
0x94: {  	[sflag:s4] =	ssyncset.done $0x0  }
0x95: {  	s16 =	sld [smem:$0x10];
	[sflag:s4] =	ssyncadd.s32 $0xFFFFFFFF  }
0x96: {  	s17 =	sld [smem:$0x11];
	(tm) =	ssettm $0x1  }
0x97: {  	s18 =	sld [smem:$0x3FFB];
	_ =	sdelay $0x3  }
0x98: {  	_ =	strace s18  }
0x99: {  	s5 =	sld [smem:$0x3FFC];
	_ =	sdelay $0x3  }
0x9a: {  	_ =	strace s5  }
0x9b: {  	s5 =	sld [smem:$0x3FFD];
	_ =	sdelay $0x3  }
0x9c: {  	_ =	strace s5  }
0x9d: {  	_ =	strace $0x8FFFFFFF  }
0x9e: {  	s19 =	sld [smem:$0x3FDB];
	_ =	sdelay $0x1  }
0x9f: {  	s6 =	simm.s32 $_scs_section_size  }
0xa0: {  	s7 =	simm.s32 $_size__tile_overlayer_lowered;
	s8 =	simm.s32 $_tile_overlayer_lowered  }
0xa1: {  	s22 =	simm.s32 $0x1BFF;
	s21 =	sshll.u32 s8, $0x1;
	s5 =	sadd.s32 s6, s19  }
0xa2: {  	s9 =	simm.s32 $0x0;
	s20 =	sshll.u32 s7, $0x1;
	s7 =	sadd.s32 s21, s5  }
0xa3: {  	[timem:s9], [sflag:s22] =	dma.local [hbm:s7], s20  }
0xa4: {  	_ =	swait.ge [sflag:s22], s20  }
0xa5: {  	s6 =	ssub.s32 $0x0, s20;
	[sflag:s22] =	ssyncset.done $0x0  }
0xa6: {  	[sflag:s22] =	ssyncadd.s32 s6;
	_ =	sdelay $0x1  }
0xa7: {  	s23 =	simm.s32 $0x1B8B  }
0xa8: {  	_ =	swait.ge [sflag:s23], $0x1  }
0xa9: {  	[sflag:s23] =	ssyncset.done $0x0  }
0xaa: {  	s25 =	simm.s32 $0x1B8E;
	s24 =	sld [smem:$0x3FFE];
	[sflag:s23] =	ssyncadd.s32 $0xFFFFFFFF  }
0xab: {  	s26 =	simm.s32 $execute0_lowered;
	[smem:$0x3FD2] =	sst s25  }
0xac: {  	s7 =	sshll.u32 s26, $0x1;
	_ =	strace $0x80000046;
	[dreg:$0x1] =	wrdreg $0xFFFFFFFF  }
0xad: {  	s28 =	simm.s32 $_size_execute0_lowered;
	s5 =	sadd.s32 s5, s7;
	[dreg:$0x0] =	wrdreg $0x0  }
0xae: {  	s7 =	sshll.u32 s28, $0x1;
	[dreg:$0x2] =	wrdreg s5  }
0xaf: {  	[dreg:$0x3] =	wrdreg s7  }
0xb0: {  	[dreg:$0x4] =	wrdreg $0xC0  }
0xb1: {  	_ =	task [dreg:s9], $0x5FFFF  }
0xb2: {  	[dreg:$0x1] =	wrdreg $0xFFFFFFFF  }
0xb3: {  	[dreg:$0x0] =	wrdreg $0x60  }
0xb4: {  	[dreg:$0x2] =	wrdreg s24  }
0xb5: {  	[dreg:$0x3] =	wrdreg s17  }
0xb6: {  	[dreg:$0x4] =	wrdreg s15  }
0xb7: {  	[dreg:$0x5] =	wrdreg s16  }
0xb8: {  	[dreg:$0x6] =	wrdreg $0x9  }
0xb9: {  	_ =	task.clear_ibuf [dreg:s9], $0x7FFFF;
	_ =	strace $0x90000046  }
0xba: {  	s29 =	simm.s32 $0x9;
	_ =	strace $0x80000048  }
0xbb: {  	_ =	swait.ge [sflag:s29], $0x1  }
0xbc: {  	[sflag:s29] =	ssyncadd.s32 $0xFFFFFFFF  }
0xbd: {  	_ =	strace $0x90000048  }
0xbe: {  	_ =	sfence  }
0xbf: {  	s30 =	sld [smem:$0x0];
	_ =	sdelay $0x2  }
0xc0: {  	s31 =	sshll.u32 s1, $0xD;
	s1 =	sshrl.u32 s1, $0x2  }
0xc1: {  	s3 =	sand.u32 $0x4000, s31;
	s1 =	sadd.s32 s1, s30  }
0xc2: {  	s0 =	sor.u32 s3, s0;
	s1 =	sshll.u32 s1, $0x11  }
0xc3: {  	s0 =	sor.u32 s1, s0  }
0xc4: {  	s0 =	sadd.s32 $0x8F2B, s0  }
0xc5: {  	[sflag:s0] =	ssyncadd.remote.s32 $0x1  }
0xc6: {  	_ =	sfence.sel $0xFFFF  }
0xc7: {  	[dreg:$0x0] =	wrdreg $0xFFFFFFFF;
	(pc) =	sbr.abs _section_cstart, $3  }
0xc8: {  	[dreg:$0x1] =	wrdreg $0xFFFFFFFF  }
0xc9: {  	_ =	task.clear_ibuf [dreg:s9], $0x2FFFF;
	_ =	strace $0x9FFFFFFF  }
0xca: {  	(tm) =	ssettm $0x7FFFFFFF  }
0xcb: {  	_ =	shalt  }
tec
execute0_lowered:
.L_overlay_start_1:
0x0: {  	(tag) =	ssettag $0x1  }
0x1: {  	s0 =	rddreg [dreg:$0x0]  }
0x2: {  	s4 =	rddreg [dreg:$0x3];
	s1 =	srdreg.scid  }
0x3: {  	s3 =	stileid.u32;
	s5 =	simm.s32 $0x0;
	s19 =	simm.s32 $0x1  }
0x4: {  	s20 =	simm.s32 $0x800;
	s21 =	simm.s32 $0x1000;
	s22 =	simm.s32 $0x1800  }
0x5: {  	s23 =	simm.s32 $0x2000;
	s24 =	simm.s32 $0x2080;
	s25 =	simm.s32 $0x2100  }
0x6: {  	s28 =	simm.s32 $0x2200;
	s29 =	simm.s32 $0x2280;
	s30 =	simm.s32 $0x2300  }
0x7: {  	s31 =	simm.s32 $0x2380;
	s1 =	sand.u32 $0x1, s1;
	s2 =	sshll.u32 s3, $0x1  }
0x8: {  	[smem:$0x7FF] =	sst s5;
	s11 =	sshrl.u32 s3, $0x3;
	s6 =	sadd.s32 $0x1000, s0  }
0x9: {  	s7 =	sadd.s32 $0xE00, s0;
	s8 =	sadd.s32 $0xC00, s0;
	s2 =	sor.u32 s1, s2  }
0xa: {  	_ =	strace $0x80000047;
	s10 =	sshll.u32 s11, $0x8;
	s1 =	ssub.s32 $0x2, s1  }
0xb: {  	s11 =	sshll.u32 s11, $0xA;
	s12 =	sshll.u32 s2, $0x4;
	s26 =	sshrl.u32 s1, $0x1  }
0xc: {  	s2 =	sshll.u32 s2, $0x1;
	s9 =	sand.u32 $0xF0, s12;
	s1 =	ssub.s32 s1, s26  }
0xd: {  	s12 =	sor.u32 $0x700, s12;
	s26 =	simm.s32 $0x2180;
	s13 =	sor.u32 s10, s9  }
0xe: {  	s9 =	sadd.s32 $0xA00, s0;
	s10 =	sadd.s32 $0x800, s0;
	s13 =	sshrl.u32 s13, $0x3  }
0xf: {  	s18 =	smax.u32 s1, $0x1;
	s16 =	sadd.s32 s13, s0;
	s0 =	sadd.s32 s2, s0  }
0x10: {  	v0 =	vlaneseq.u32;
	s13 =	sadd.s32 $0x400, s11;
	s14 =	sadd.s32 $0x1200, s16;
	s15 =	sadd.s32 $0x1600, s16  }
0x11: {  	v60 =	vor.u32 s12, v0;
	s16 =	sadd.s32 $0x1800, s16;
	s17 =	sadd.s32 $0x1400, s0;
	s0 =	simm.s32 $0x0  }
.LBB2_1:
0x12: {  	[tilespmem:s5], [sflag:$0x1] =	stream.linear.gather [hbm4b:s6+s5], $0x800, $0x38;
	[tilespmem:$0x2400] =	vst v63  }
0x13: {  	_ =	swait.ge [sflag:s19], $0x800  }
0x14: {  	[sflag:s19] =	ssyncset.done $0x0  }
0x15: {  	[sflag:s19] =	ssyncadd.s32 $0xFFFFF800  }
0x16: {  	[tilespmem:s20], [sflag:$0x1] =	stream.linear.gather [hbm4b:s7+s5], $0x800, $0x38;
	[tilespmem:$0x2400] =	vst v63  }
0x17: {  	_ =	swait.ge [sflag:s19], $0x800  }
0x18: {  	[sflag:s19] =	ssyncset.done $0x0  }
0x19: {  	[sflag:s19] =	ssyncadd.s32 $0xFFFFF800  }
0x1a: {  	s1 =	rddreg [dreg:$0x1]  }
0x1b: {  	[tilespmem:s21], [sflag:$0x1] =	stream.linear.gather [hbm4b:s1+s5], $0x800, $0x38;
	[tilespmem:$0x2400] =	vst v63  }
0x1c: {  	_ =	swait.ge [sflag:s19], $0x800  }
0x1d: {  	[sflag:s19] =	ssyncset.done $0x0  }
0x1e: {  	[sflag:s19] =	ssyncadd.s32 $0xFFFFF800  }
0x1f: {  	s2 =	rddreg [dreg:$0x2]  }
0x20: {  	[tilespmem:s22], [sflag:$0x1] =	stream.linear.gather [hbm4b:s2+s5], $0x800, $0x38;
	[tilespmem:$0x2400] =	vst v63  }
0x21: {  	_ =	swait.ge [sflag:s19], $0x800  }
0x22: {  	[sflag:s19] =	ssyncset.done $0x0  }
0x23: {  	[sflag:s19] =	ssyncadd.s32 $0xFFFFF800  }
0x24: {  	[tilespmem:s23], [sflag:$0x1] =	stream.linear.gather [hbm4b:s4+s5], $0x80, $0x38;
	[tilespmem:$0x2400] =	vst v63  }
0x25: {  	_ =	swait.ge [sflag:s19], $0x80  }
0x26: {  	[sflag:s19] =	ssyncset.done $0x0  }
0x27: {  	[sflag:s19] =	ssyncadd.s32 $0xFFFFFF80  }
0x28: {  	[tilespmem:s24], [sflag:$0x1] =	stream.linear.gather [hbm4b:s8+s5], $0x80, $0x38;
	[tilespmem:$0x2400] =	vst v63  }
0x29: {  	_ =	swait.ge [sflag:s19], $0x80  }
0x2a: {  	[sflag:s19] =	ssyncset.done $0x0  }
0x2b: {  	[sflag:s19] =	ssyncadd.s32 $0xFFFFFF80  }
0x2c: {  	[tilespmem:s25], [sflag:$0x1] =	stream.linear.gather [hbm4b:s9+s5], $0x80, $0x38;
	[tilespmem:$0x2400] =	vst v63  }
0x2d: {  	_ =	swait.ge [sflag:s19], $0x80  }
0x2e: {  	[sflag:s19] =	ssyncset.done $0x0  }
0x2f: {  	[sflag:s19] =	ssyncadd.s32 $0xFFFFFF80  }
0x30: {  	[tilespmem:s26], [sflag:$0x1] =	stream.linear.gather [hbm4b:s10+s5], $0x80, $0x38;
	[tilespmem:$0x2400] =	vst v63  }
0x31: {  	_ =	swait.ge [sflag:s19], $0x80  }
0x32: {  	[sflag:s19] =	ssyncset.done $0x0  }
0x33: {  	[sflag:s19] =	ssyncadd.s32 $0xFFFFFF80  }
0x34: {  	v0 =	vld [tilespmem:s12+$0x1800]  }
0x35: {  	v45 =	vld [tilespmem:s12+$0x800]  }
0x36: {  	v1 =	vld [tilespmem:s12+$0x0]  }
0x37: {  	s3 =	sadd.s32 $0x1, s11  }
0x38: {  	v46 =	vmov s3;
	_ =	sdelay $0x1  }
0x39: {  	[tilespmem:$0x1FFE0] =	vst v45  }
0x3a: {  	[tilespmem:$0x1FFD0] =	vst v1;
	v0 =	vshll.u32 v0, $0x2;
	v6 =	vld [tilespmem:$0x1FFE0]  }
0x3b: {  	[tilespmem:$0x1FFF0] =	vst v0;
	v3 =	vld [tilespmem:$0x1FFD0]  }
0x3c: {  	v1 =	vld.idx.msk [tilespmem:v46+s20+$0x0], $0xffff  }
0x3d: {  	v2 =	vld.idx.msk [tilespmem:v46+s5+$0x0], $0xffff  }
0x3e: {  	v5 =	vld [tilespmem:s12+$0x1000]  }
0x3f: {  	s2 =	sadd.s32 $0x3, s11;
	v4 =	vld.idx.msk [tilespmem:v46+s21+$0x0], $0xffff  }
0x40: {  	v15 =	vmov s2;
	_ =	sdelay $0x1  }
0x41: {  	v30 =	vsub.f32 v1, v6;
	v43 =	vsub.f32 v2, v3;
	_ =	sdelay $0x1  }
0x42: {  	s3 =	sadd.s32 $0x2, s11;
	v42 =	vsub.f32 v4, v5;
	v1 =	vmul.f32 v30, v30;
	v2 =	vmul.f32 v43, v43  }
0x43: {  	v47 =	vmov s3;
	v7 =	vld.idx.msk [tilespmem:v15+s5+$0x0], $0xffff  }
0x44: {  	v8 =	vld.idx.msk [tilespmem:v15+s20+$0x0], $0xffff;
	v4 =	vmul.f32 v42, v42;
	v1 =	vadd.f32 v1, v2;
	_ =	sdelay $0x1  }
0x45: {  	v1 =	vadd.f32 v4, v1;
	v4 =	vld.idx.msk [tilespmem:v15+s21+$0x0], $0xffff;
	_ =	sdelay $0x1  }
0x46: {  	v13 =	vld.idx.msk [tilespmem:v47+s5+$0x0], $0xffff;
	v9 =	vshra.s32 v1, $0x1;
	v11 =	vmul.f32 $5.000000000e-01, v1  }
0x47: {  	v28 =	vsub.f32 v7, v3;
	v33 =	vsub.f32 v8, v6;
	v10 =	vsub.s32 $0x5F3759DF, v9;
	v9 =	vld.idx.msk [tilespmem:v47+s20+$0x0], $0xffff  }
0x48: {  	v12 =	vmul.f32 v10, v11  }
0x49: {  	v14 =	vld.idx.msk [tilespmem:v47+s21+$0x0], $0xffff;
	v20 =	vmul.f32 v28, v28;
	v21 =	vmul.f32 v33, v33;
	v29 =	vsub.f32 v4, v5  }
0x4a: {  	v8 =	vmul.f32 v10, v12  }
0x4b: {  	v7 =	vsub.f32 v13, v3;
	v20 =	vadd.f32 v21, v20;
	v12 =	vld.idx.msk [tilespmem:v46+s22+$0x0], $0xffff;
	v23 =	vmul.f32 v29, v29  }
0x4c: {  	v22 =	vsub.f32 $1.500000000e+00, v8;
	v4 =	vsub.f32 v9, v6;
	v8 =	vld [tilespmem:$0x1FFF0]  }
0x4d: {  	v21 =	vmul.f32 v7, v7;
	v20 =	vadd.f32 v23, v20  }
0x4e: {  	v52 =	vsub.f32 v14, v5;
	v13 =	vmul.f32 v10, v22;
	v14 =	vmul.f32 v4, v4  }
0x4f: {  	v22 =	vshra.s32 v20, $0x1  }
0x50: {  	v23 =	vmul.f32 $5.000000000e-01, v20;
	v11 =	vmul.f32 v13, v11;
	v14 =	vadd.f32 v14, v21  }
0x51: {  	v21 =	vsub.s32 $0x5F3759DF, v22;
	v38 =	vadd.s32 v8, v12;
	v12 =	vmul.f32 v52, v52  }
0x52: {  	v22 =	vmul.f32 v21, v23;
	v11 =	vmul.f32 v11, v13  }
0x53: {  	v24 =	vadd.f32 v12, v14  }
0x54: {  	v14 =	vmul.f32 v21, v22;
	v11 =	vsub.f32 $1.500000000e+00, v11  }
0x55: {  	v22 =	vld.idx.msk [tilespmem:v15+s22+$0x0], $0xffff;
	v25 =	vshra.s32 v24, $0x1  }
0x56: {  	v26 =	vmul.f32 $5.000000000e-01, v24;
	v12 =	vld.idx.msk [tilespmem:v38+s23+$0x0], $0xffff;
	v31 =	vmul.f32 v11, v13;
	v13 =	vsub.f32 $1.500000000e+00, v14  }
0x57: {  	v11 =	vsub.s32 $0x5F3759DF, v25  }
0x58: {  	v14 =	vmul.f32 v11, v26;
	v21 =	vmul.f32 v21, v13  }
0x59: {  	v1 =	vmul.f32 v31, v1  }
0x5a: {  	v13 =	vmul.f32 v11, v14;
	v14 =	vadd.s32 v8, v22;
	v22 =	vmul.f32 v21, v23  }
0x5b: {  	v12 =	vmul.f32 v1, v12  }
0x5c: {  	v23 =	vld.idx.msk [tilespmem:v47+s22+$0x0], $0xffff;
	v56 =	vmul.f32 v22, v21  }
0x5d: {  	v13 =	vsub.f32 $1.500000000e+00, v13;
	v36 =	vsub.f32 $1.000000000e+00, v12  }
0x5e: {  	vm0 =	vne.s32 v46, v60;
	vm1 =	vlt.f32 v1, $1.000000000e+00;
	v0 =	vsub.f32 $1.500000000e+00, v56  }
0x5f: {  	vm0 =	vmand vm0, vm1;
	v57 =	vmul.f32 v11, v13;
	v25 =	vld.idx.msk [tilespmem:v14+s23+$0x0], $0xffff;
	vm1 =	vgt.f32 v36, $0.0e+00  }
0x60: {  	vm3 =	vmand vm0, vm1;
	v54 =	vmul.f32 v0, v21  }
0x61: {  	v12 =	vmul.f32 v57, v26;
	v10 =	vadd.s32 v8, v23;
	v22 =	vnsel vm3, $0x3F800000, v36  }
0x62: {  	v23 =	vand.u32 $0x7FFFFF, v22;
	v20 =	vmul.f32 v54, v20  }
0x63: {  	v12 =	vmul.f32 v12, v57;
	v58 =	vor.u32 $0x3F800000, v23  }
0x64: {  	v21 =	vmul.f32 $2.482560650e-02, v58;
	v23 =	vmul.f32 v20, v25  }
0x65: {  	v12 =	vsub.f32 $1.500000000e+00, v12  }
0x66: {  	v25 =	vld.idx.msk [tilespmem:v10+s23+$0x0], $0xffff;
	v21 =	vsub.f32 $2.668588160e-01, v21;
	v26 =	vsub.f32 $1.000000000e+00, v23  }
0x67: {  	vm0 =	vne.s32 v15, v60;
	vm1 =	vlt.f32 v20, $1.000000000e+00;
	v37 =	vmul.f32 v12, v57  }
0x68: {  	vm0 =	vmand vm0, vm1;
	v59 =	vmul.f32 v58, v21;
	vm1 =	vgt.f32 v26, $0.0e+00  }
0x69: {  	v21 =	vmul.f32 v37, v24;
	vm0 =	vmand vm0, vm1  }
0x6a: {  	v1 =	vadd.f32 $-1.234263180e+00, v59;
	v39 =	vnsel vm0, $0x3F800000, v26  }
0x6b: {  	v15 =	vmul.f32 v21, v25;
	v20 =	vand.u32 $0x7FFFFF, v39  }
0x6c: {  	v1 =	vmul.f32 v58, v1;
	v48 =	vor.u32 $0x3F800000, v20  }
0x6d: {  	v63 =	vsub.f32 $1.000000000e+00, v15;
	v61 =	vmul.f32 $2.482560650e-02, v48  }
0x6e: {  	vm1 =	vne.s32 v47, v60;
	vm2 =	vlt.f32 v21, $1.000000000e+00;
	v1 =	vadd.f32 $3.218832730e+00, v1  }
0x6f: {  	vm1 =	vmand vm1, vm2;
	vm2 =	vgt.f32 v63, $0.0e+00;
	v2 =	vsub.f32 $2.668588160e-01, v61  }
0x70: {  	vm1 =	vmand vm1, vm2;
	v1 =	vmul.f32 v58, v1  }
0x71: {  	v45 =	vmov s11;
	v20 =	vnsel vm1, $0x3F800000, v63;
	v2 =	vmul.f32 v48, v2  }
0x72: {  	v21 =	vand.u32 $0x7FFFFF, v20;
	v1 =	vadd.f32 $-5.264110570e+00, v1  }
0x73: {  	v35 =	vor.u32 $0x3F800000, v21;
	v2 =	vadd.f32 $-1.234263180e+00, v2  }
0x74: {  	v21 =	vmul.f32 $2.482560650e-02, v35;
	v1 =	vmul.f32 v58, v1  }
0x75: {  	v2 =	vmul.f32 v48, v2  }
0x76: {  	v62 =	vld.idx.msk [tilespmem:v45+s22+$0x0], $0xffff;
	v21 =	vsub.f32 $2.668588160e-01, v21;
	v1 =	vadd.f32 $6.065830230e+00, v1  }
0x77: {  	v23 =	vld.idx.msk [tilespmem:v38+s24+$0x0], $0xffff;
	v2 =	vadd.f32 $3.218832730e+00, v2  }
0x78: {  	s1 =	sadd.s32 $0x4, s11;
	v22 =	vshra.s32 v22, $0x17;
	v24 =	vld.idx.msk [tilespmem:v45+s5+$0x0], $0xffff;
	v21 =	vmul.f32 v35, v21;
	v0 =	vmul.f32 v58, v1  }
0x79: {  	p1 =	slt.u32 s1, s13;
	v22 =	vadd.s32 $0xFFFFFF81, v22;
	v25 =	vld.idx.msk [tilespmem:v45+s20+$0x0], $0xffff;
	v2 =	vmul.f32 v48, v2  }
.Ltmp0:
0x7a: {  	v22 =	vcvt.s32.f32 v22;
	v21 =	vadd.f32 $-1.234263180e+00, v21;
	v0 =	vadd.f32 $-3.028317450e+00, v0;
	(pc) =	sbr.rel @!p1 .LBB2_2-.Ltmp0, $4  }
0x7b: {  	v27 =	vimm.f32 $0.0e+00;
	v20 =	vshra.s32 v20, $0x17;
	v2 =	vadd.f32 $-5.264110570e+00, v2  }
0x7c: {  	v40 =	vadd.s32 $0xFFFFFF81, v20;
	v20 =	vmul.f32 v35, v21;
	v0 =	vadd.f32 v22, v0  }
0x7d: {  	v49 =	vld.idx.msk [tilespmem:v45+s21+$0x0], $0xffff;
	v19 =	vadd.s32 v8, v62;
	v15 =	vsub.f32 v24, v3;
	v21 =	vmul.f32 v48, v2  }
0x7e: {  	p0 =	por $0x0, $0x0;
	v13 =	vld.idx.msk [tilespmem:v10+s24+$0x0], $0xffff;
	v57 =	vadd.f32 $3.218832730e+00, v20;
	v24 =	vmul.f32 v0, v23;
	v23 =	vsub.f32 v25, v6  }
0x7f: {  	s2 =	sadd.s32 $0x1, s1  }
0x80: {  	v2 =	vmov s2;
	_ =	sdelay $0x2  }
0x81: {  	v8 =	vld [tilespmem:$0x1FFE0]  }
0x82: {  	v6 =	vld [tilespmem:$0x1FFD0]  }
0x83: {  	v20 =	vld.idx.msk [tilespmem:v2+s20+$0x0], $0xffff  }
0x84: {  	v25 =	vld.idx.msk [tilespmem:v2+s5+$0x0], $0xffff  }
0x85: {  	[tilespmem:$0x1FF70] =	vst v26  }
0x86: {  	v0 =	vmul.f32 v15, v15;
	s3 =	sadd.s32 $0x2, s1;
	v22 =	vsub.f32 v49, v5;
	v26 =	vmul.f32 v23, v23;
	v27 =	vld.idx.msk [tilespmem:v2+s21+$0x0], $0xffff  }
0x87: {  	v34 =	vmov s3;
	s3 =	sadd.s32 $0x3, s1  }
0x88: {  	v16 =	vmovc v30;
	v30 =	vmul.f32 v22, v22;
	[tilespmem:$0x1FF80] =	vst v29;
	v29 =	vadd.f32 v26, v0;
	v0 =	vmov s3  }
0x89: {  	[tilespmem:$0x1FF90] =	vst v28;
	v26 =	vsub.f32 v20, v8;
	v28 =	vsub.f32 v25, v6  }
0x8a: {  	vm2 =	vmmov vm3;
	v39 =	vshra.s32 v39, $0x17;
	v20 =	vadd.f32 v30, v29  }
0x8b: {  	v30 =	vsub.f32 v27, v5;
	v1 =	vmul.f32 v26, v26;
	v27 =	vmul.f32 v28, v28  }
0x8c: {  	vm4 =	vne.s32 v45, v60;
	v40 =	vcvt.s32.f32 v40;
	[tilespmem:$0x1FFA0] =	vst v33;
	v29 =	vshra.s32 v20, $0x1  }
0x8d: {  	v12 =	vmovc v31;
	v31 =	vmul.f32 $5.000000000e-01, v20;
	v56 =	vld.idx.msk [tilespmem:v0+s21+$0x0], $0xffff;
	v55 =	vmul.f32 v30, v30;
	v1 =	vadd.f32 v1, v27  }
0x8e: {  	v21 =	vadd.f32 $6.065830230e+00, v21;
	v41 =	vld.idx.msk [tilespmem:v0+s20+$0x0], $0xffff;
	v29 =	vsub.s32 $0x5F3759DF, v29;
	v27 =	vmul.f32 v35, v57  }
0x8f: {  	v59 =	vmovc v36;
	v24 =	vmul.f32 $1.442695020e+00, v24;
	v62 =	vld.idx.msk [tilespmem:v0+s5+$0x0], $0xffff;
	v53 =	vmul.f32 v29, v31;
	v36 =	vadd.f32 v55, v1  }
0x90: {  	vm7 =	vne.s32 v34, v60;
	vm3 =	vne.s32 v2, v60;
	v33 =	vld.idx.msk [tilespmem:v34+s20+$0x0], $0xffff;
	v44 =	vadd.f32 $-5.264110570e+00, v27  }
0x91: {  	v55 =	vld.idx.msk [tilespmem:v34+s5+$0x0], $0xffff;
	v3 =	vmul.f32 v29, v53;
	v27 =	vshra.s32 v36, $0x1;
	v46 =	vmul.f32 $5.000000000e-01, v36  }
0x92: {  	v61 =	vmovc v37;
	v21 =	vmul.f32 v48, v21;
	v47 =	vld.idx.msk [tilespmem:v34+s21+$0x0], $0xffff;
	v9 =	vsub.f32 v56, v5;
	v49 =	vsub.s32 $0x5F3759DF, v27  }
0x93: {  	v11 =	vmovc v42;
	v2 =	vld.idx.msk [tilespmem:v2+s22+$0x0], $0xffff;
	v58 =	vsub.f32 $1.500000000e+00, v3;
	v3 =	vsub.f32 v41, v8;
	v50 =	vmul.f32 v49, v46  }
0x94: {  	v1 =	vmovc v43;
	v44 =	vmul.f32 v35, v44;
	v27 =	vsub.f32 v62, v6;
	v53 =	vmul.f32 v9, v9  }
0x95: {  	v43 =	vsub.f32 v33, v8;
	v37 =	vmul.f32 v29, v58;
	v41 =	vmul.f32 v49, v50;
	v50 =	vld.idx.msk [tilespmem:v0+s22+$0x0], $0xffff  }
0x96: {  	v56 =	vmul.f32 v3, v3;
	v42 =	vsub.f32 v55, v6;
	v62 =	vmul.f32 v27, v27;
	[tilespmem:$0x1FFB0] =	vst v3;
	v3 =	vld [tilespmem:$0x1FFF0]  }
0x97: {  	v33 =	vsub.f32 v47, v5;
	v51 =	vmul.f32 v43, v43;
	v31 =	vmul.f32 v37, v31  }
0x98: {  	v57 =	vmovc v38;
	[tilespmem:$0x1FFC0] =	vst v9;
	v58 =	vmul.f32 v42, v42;
	v38 =	vadd.f32 v56, v62;
	v41 =	vsub.f32 $1.500000000e+00, v41  }
0x99: {  	v44 =	vadd.f32 $6.065830230e+00, v44;
	v62 =	vmul.f32 v33, v33;
	v34 =	vld.idx.msk [tilespmem:v34+s22+$0x0], $0xffff;
	v55 =	vmul.f32 v31, v37  }
0x9a: {  	v56 =	vadd.f32 v51, v58;
	v47 =	vadd.f32 v53, v38;
	v49 =	vmul.f32 v49, v41  }
0x9b: {  	v38 =	vadd.s32 v3, v50;
	v31 =	vadd.s32 v3, v2;
	v2 =	vsub.f32 $1.500000000e+00, v55  }
0x9c: {  	v51 =	vld.idx.msk [tilespmem:v19+s23+$0x0], $0xffff;
	v45 =	vadd.f32 v62, v56;
	v58 =	vshra.s32 v47, $0x1;
	v46 =	vmul.f32 v49, v46  }
0x9d: {  	v53 =	vmul.f32 $5.000000000e-01, v47;
	v50 =	vsub.s32 $0x5F3759DF, v58;
	v41 =	vmul.f32 v2, v37  }
0x9e: {  	v18 =	vmovc v52;
	v52 =	vadd.s32 v3, v34;
	v58 =	vmul.f32 v35, v44;
	v2 =	vmul.f32 v46, v49  }
0x9f: {  	v62 =	vshra.s32 v45, $0x1;
	v32 =	vmul.f32 v50, v53;
	v20 =	vmul.f32 v41, v20  }
0xa0: {  	v29 =	vmovc v19;
	v19 =	vmovc v54;
	v54 =	vmul.f32 $5.000000000e-01, v45;
	v35 =	vadd.f32 $-3.028317450e+00, v58;
	v2 =	vsub.f32 $1.500000000e+00, v2  }
0xa1: {  	v37 =	vsub.s32 $0x5F3759DF, v62;
	v46 =	vmul.f32 v50, v32;
	v56 =	vld.idx.msk [tilespmem:v31+s23+$0x0], $0xffff;
	v51 =	vmul.f32 v20, v51  }
0xa2: {  	v55 =	vmul.f32 v37, v54;
	v35 =	vadd.f32 v40, v35;
	v9 =	vmul.f32 v2, v49  }
0xa3: {  	vm5 =	vlt.f32 v20, $1.000000000e+00;
	v20 =	vsub.f32 $1.500000000e+00, v46;
	v46 =	vsub.f32 $1.000000000e+00, v51  }
0xa4: {  	v2 =	vmul.f32 v37, v55;
	vm4 =	vmand vm4, vm5;
	v36 =	vmul.f32 v9, v36  }
0xa5: {  	v32 =	vmul.f32 v35, v13;
	v20 =	vmul.f32 v50, v20;
	vm5 =	vgt.f32 v46, $0.0e+00  }
0xa6: {  	v2 =	vsub.f32 $1.500000000e+00, v2;
	v62 =	vmul.f32 v36, v56;
	vm6 =	vmand vm4, vm5  }
0xa7: {  	v32 =	vmul.f32 $1.442695020e+00, v32;
	v34 =	vmul.f32 v20, v53;
	v53 =	vnsel vm6, $0x3F800000, v46  }
0xa8: {  	vm4 =	vlt.f32 v36, $1.000000000e+00;
	v36 =	vsub.f32 $1.000000000e+00, v62;
	v55 =	vand.u32 $0x7FFFFF, v53  }
0xa9: {  	v2 =	vmul.f32 v37, v2;
	v49 =	vmul.f32 v34, v20;
	v51 =	vor.u32 $0x3F800000, v55  }
0xaa: {  	vm3 =	vmand vm3, vm4;
	v44 =	vmul.f32 $2.482560650e-02, v51;
	vm4 =	vgt.f32 v36, $0.0e+00  }
0xab: {  	(erf) = vpow2.f32 v32;
	v56 =	vsub.f32 $1.500000000e+00, v49;
	vm3 =	vmand vm3, vm4  }
0xac: {  	v62 =	vmul.f32 v2, v54;
	v40 =	vsub.f32 $2.668588160e-01, v44;
	v58 =	vnsel vm3, $0x3F800000, v36  }
0xad: {  	v54 =	vmul.f32 v56, v20;
	v20 =	vand.u32 $0x7FFFFF, v58;
	v56 =	vshra.s32 v58, $0x17  }
0xae: {  	v58 =	vmul.f32 v62, v2;
	v35 =	vmul.f32 v51, v40;
	v20 =	vor.u32 $0x3F800000, v20;
	v40 =	vld.idx.msk [tilespmem:v38+s23+$0x0], $0xffff  }
0xaf: {  	vm5 =	vmmov vm1;
	v50 =	vshra.s32 v53, $0x17;
	v62 =	vmul.f32 $2.482560650e-02, v20  }
0xb0: {  	v55 =	vadd.s32 $0xFFFFFF81, v56;
	v56 =	vsub.f32 $1.500000000e+00, v58;
	v35 =	vadd.f32 $-1.234263180e+00, v35  }
0xb1: {  	v53 =	vadd.s32 $0xFFFFFF81, v39;
	v47 =	vmul.f32 v54, v47;
	v58 =	vld.idx.msk [tilespmem:v52+s23+$0x0], $0xffff;
	v62 =	vsub.f32 $2.668588160e-01, v62  }
0xb2: {  	v50 =	vadd.s32 $0xFFFFFF81, v50;
	v37 =	vmul.f32 v56, v2;
	v35 =	vmul.f32 v51, v35  }
0xb3: {  	vm4 =	vmmov vm0;
	v2 =	vmul.f32 v20, v62;
	v44 =	vmul.f32 v47, v40  }
0xb4: {  	vm0 =	vne.s32 v0, v60;
	v0 =	vmul.f32 v37, v45;
	v35 =	vadd.f32 $3.218832730e+00, v35  }
0xb5: {  	v17 =	vmovc v60;
	vm8 =	vlt.f32 v47, $1.000000000e+00;
	v2 =	vadd.f32 $-1.234263180e+00, v2;
	v60 =	vsub.f32 $1.000000000e+00, v44  }
0xb6: {  	vm0 =	vmand vm0, vm8;
	v47 =	vmul.f32 v0, v58;
	v45 =	vmul.f32 v51, v35  }
0xb7: {  	vm8 =	vlt.f32 v0, $1.000000000e+00;
	v2 =	vmul.f32 v20, v2;
	vm1 =	vgt.f32 v60, $0.0e+00  }
0xb8: {  	v58 =	vpop (erf);
	(erf) = vpow2.f32 v24;
	v32 =	vadd.f32 $-5.264110570e+00, v45;
	vm0 =	vmand vm0, vm1  }
0xb9: {  	v25 =	vmovc v63;
	v0 =	vld.idx.msk [tilespmem:v10+s26+$0x0], $0xffff;
	v63 =	vsub.f32 $1.000000000e+00, v47;
	v2 =	vadd.f32 $3.218832730e+00, v2;
	v39 =	vnsel vm0, $0x3F800000, v60  }
0xba: {  	v47 =	vcvt.s32.f32 v50;
	v32 =	vmul.f32 v51, v32;
	v49 =	vand.u32 $0x7FFFFF, v39  }
0xbb: {  	vm1 =	vmand vm7, vm8;
	v2 =	vmul.f32 v20, v2;
	v44 =	vor.u32 $0x3F800000, v49  }
0xbc: {  	vm7 =	vgt.f32 v63, $0.0e+00;
	v32 =	vadd.f32 $6.065830230e+00, v32;
	v35 =	vmul.f32 $2.482560650e-02, v44  }
0xbd: {  	v45 =	vmov s1;
	vm1 =	vmand vm1, vm7;
	v2 =	vadd.f32 $-5.264110570e+00, v2  }
0xbe: {  	v0 =	vmul.f32 v58, v0;
	v32 =	vmul.f32 v51, v32;
	v35 =	vsub.f32 $2.668588160e-01, v35  }
0xbf: {  	v40 =	vld.idx.msk [tilespmem:v29+s24+$0x0], $0xffff;
	v24 =	vnsel vm1, $0x3F800000, v63;
	v49 =	vcvt.s32.f32 v53;
	v2 =	vmul.f32 v20, v2  }
0xc0: {  	v56 =	vand.u32 $0x7FFFFF, v24;
	v51 =	vld.idx.msk [tilespmem:v57+s25+$0x0], $0xffff;
	v32 =	vadd.f32 $-3.028317450e+00, v32;
	v62 =	vmul.f32 v44, v35  }
0xc1: {  	v0 =	vmul.f32 v0, v61;
	v35 =	vor.u32 $0x3F800000, v56;
	v2 =	vadd.f32 $6.065830230e+00, v2  }
0xc2: {  	v56 =	vmul.f32 $2.482560650e-02, v35;
	v32 =	vadd.f32 v47, v32;
	v50 =	vadd.f32 $-1.234263180e+00, v62  }
0xc3: {  	v62 =	vnsel vm5, $0x0, v0;
	v47 =	vld.idx.msk [tilespmem:v45+s22+$0x0], $0xffff;
	v0 =	vmul.f32 v20, v2;
	v20 =	vshra.s32 v24, $0x17  }
0xc4: {  	v53 =	vpop (erf);
	v2 =	vld.idx.msk [tilespmem:v57+s26+$0x0], $0xffff;
	v56 =	vsub.f32 $2.668588160e-01, v56;
	v24 =	vmul.f32 v32, v40;
	v57 =	vmul.f32 v44, v50  }
0xc5: {  	v50 =	vcvt.s32.f32 v55;
	v40 =	vadd.s32 $0xFFFFFF81, v20;
	v20 =	vmul.f32 v53, v51  }
0xc6: {  	v55 =	vld.idx.msk [tilespmem:v45+s5+$0x0], $0xffff;
	v0 =	vadd.f32 $-3.028317450e+00, v0;
	v32 =	vmul.f32 v35, v56;
	v24 =	vmul.f32 $1.442695020e+00, v24  }
0xc7: {  	v21 =	vadd.f32 $-3.028317450e+00, v21;
	v61 =	vld.idx.msk [tilespmem:v31+s24+$0x0], $0xffff;
	v56 =	vadd.f32 $3.218832730e+00, v57;
	v20 =	vmul.f32 v20, v59  }
0xc8: {  	s2 =	sadd.s32 $0x4, s1;
	v57 =	vld.idx.msk [tilespmem:v45+s20+$0x0], $0xffff;
	v0 =	vadd.f32 v50, v0;
	v32 =	vadd.f32 $-1.234263180e+00, v32;
	(erf) = vpow2.f32 v24  }
0xc9: {  	p1 =	slt.u32 s2, s13;
	v50 =	vld.idx.msk [tilespmem:v14+s24+$0x0], $0xffff;
	v48 =	vadd.s32 v3, v47;
	v24 =	vmul.f32 v44, v56;
	v2 =	vmul.f32 v53, v2  }
.Ltmp1:
0xca: {  	v56 =	vadd.f32 v49, v21;
	v47 =	vnsel vm2, $0x0, v20;
	v53 =	vimm.f32 $0.0e+00;
	(pc) =	sbr.rel @!p1 .LBB2_4-.Ltmp1, $4  }
0xcb: {  	v13 =	vld.idx.msk [tilespmem:v52+s24+$0x0], $0xffff;
	v32 =	vmul.f32 v35, v32;
	v20 =	vsub.f32 v55, v6;
	v51 =	vadd.f32 $-5.264110570e+00, v24  }
0xcc: {  	v49 =	vld.idx.msk [tilespmem:v45+s21+$0x0], $0xffff;
	v55 =	vimm.f32 $0.0e+00;
	v59 =	vmul.f32 v2, v12;
	v24 =	vmul.f32 v0, v61  }
0xcd: {  	v0 =	vld.idx.msk [tilespmem:v29+s26+$0x0], $0xffff;
	v61 =	vsub.f32 v57, v8;
	v57 =	vadd.f32 $3.218832730e+00, v32;
	v21 =	vmul.f32 v44, v51  }
0xce: {  	p0 =	por $0x1, $0x1;
	v34 =	vmovc v5;
	v2 =	vmul.f32 v56, v50;
	v50 =	vimm.f32 $0.0e+00;
	v56 =	vld.idx.msk [tilespmem:v29+s25+$0x0], $0xffff;
	v51 =	vimm.f32 $0.0e+00  }
.LBB2_5:
0xcf: {  	s1 =	smov.u32 s2  }
0xd0: {  	v3 =	vmul.f32 v20, v20;
	s3 =	sadd.s32 $0x1, s1  }
0xd1: {  	v5 =	vmovc v43;
	v32 =	vmul.f32 v61, v61;
	v6 =	vmov s3;
	v43 =	vsub.f32 v49, v34  }
0xd2: {  	[tilespmem:$0x1FEE0] =	vst v5;
	v5 =	vmul.f32 $1.442695020e+00, v2;
	v2 =	vmul.f32 v35, v57  }
0xd3: {  	v3 =	vadd.f32 v32, v3;
	v57 =	vmul.f32 v62, v7;
	v7 =	vpop (erf);
	v8 =	vmul.f32 v43, v43  }
0xd4: {  	v0 =	vmul.f32 v7, v0  }
0xd5: {  	v49 =	vadd.f32 $-5.264110570e+00, v2;
	v7 =	vmul.f32 v7, v56;
	v2 =	vadd.f32 v8, v3  }
0xd6: {  	v59 =	vnsel vm2, $0x0, v59;
	(erf) = vpow2.f32 v5;
	v0 =	vmul.f32 v0, v41;
	v5 =	vld.idx.msk [tilespmem:v6+s21+$0x0], $0xffff  }
0xd7: {  	[tilespmem:$0x1FEB0] =	vst v9;
	v9 =	vmovc v42;
	s3 =	sadd.s32 $0x2, s1;
	v7 =	vmul.f32 v7, v46;
	v8 =	vld.idx.msk [tilespmem:v10+s25+$0x0], $0xffff;
	v56 =	vshra.s32 v2, $0x1;
	v46 =	vmul.f32 $5.000000000e-01, v2  }
0xd8: {  	[tilespmem:$0x1FEA0] =	vst v9;
	v12 =	vmul.f32 v59, v1;
	v9 =	vmov s3;
	v42 =	vld.idx.msk [tilespmem:v6+s20+$0x0], $0xffff;
	v10 =	vmovc v30;
	v41 =	vsub.s32 $0x5F3759DF, v56  }
0xd9: {  	v29 =	vmovc v52;
	v3 =	vld.idx.msk [tilespmem:v14+s25+$0x0], $0xffff;
	v0 =	vnsel vm6, $0x0, v0;
	[tilespmem:$0x1FE80] =	vst v10;
	v7 =	vnsel vm6, $0x0, v7;
	v30 =	vmul.f32 v41, v46  }
0xda: {  	v32 =	vld [tilespmem:$0x1FFE0];
	v52 =	vmul.f32 v0, v15;
	v15 =	vmovc v26;
	v7 =	vadd.f32 v7, v50;
	v22 =	vmul.f32 v0, v22  }
0xdb: {  	v10 =	vld.idx.msk [tilespmem:v6+s5+$0x0], $0xffff;
	[tilespmem:$0x1FE90] =	vst v15;
	v15 =	vmul.f32 v41, v30;
	v30 =	vsub.f32 v5, v34  }
0xdc: {  	v5 =	vadd.f32 v47, v7;
	v7 =	vmul.f32 v58, v8;
	v8 =	vadd.f32 v22, v55;
	v22 =	vld [tilespmem:$0x1FFD0]  }
0xdd: {  	v23 =	vmul.f32 v0, v23;
	v0 =	vshra.s32 v39, $0x17;
	v39 =	vld.idx.msk [tilespmem:v14+s26+$0x0], $0xffff;
	v56 =	vmul.f32 v59, v11;
	v11 =	vmovc v20  }
0xde: {  	vm2 =	vmmov vm3;
	vm3 =	vne.s32 v6, v17;
	v4 =	vmul.f32 v62, v4;
	[tilespmem:$0x1FED0] =	vst v11;
	v11 =	vld.idx.msk [tilespmem:v9+s21+$0x0], $0xffff  }
0xdf: {  	s3 =	sadd.s32 $0x3, s1;
	vm7 =	vne.s32 v9, v17;
	v59 =	vmul.f32 v59, v16;
	v16 =	vld.idx.msk [tilespmem:v9+s20+$0x0], $0xffff;
	v53 =	vadd.f32 v23, v53  }
0xe0: {  	v1 =	vmovc v28;
	v20 =	vmov s3;
	v51 =	vadd.f32 v52, v51;
	v26 =	vsub.f32 v42, v32  }
0xe1: {  	v50 =	vld.idx.msk [tilespmem:v9+s5+$0x0], $0xffff;
	v52 =	vmul.f32 v62, v18;
	v58 =	vadd.f32 v59, v53;
	v23 =	vpop (erf);
	v28 =	vsub.f32 v10, v22  }
0xe2: {  	v14 =	vmovc v43;
	v59 =	vmul.f32 v26, v26;
	v12 =	vadd.f32 v12, v51;
	v3 =	vmul.f32 v23, v3  }
0xe3: {  	v18 =	vmovc v33;
	v39 =	vmul.f32 v23, v39;
	v33 =	vsub.f32 v11, v34;
	v11 =	vmul.f32 v28, v28  }
0xe4: {  	v53 =	vld [tilespmem:$0x1FF70];
	v23 =	vmovc v61;
	v7 =	vmul.f32 v7, v25;
	v8 =	vadd.f32 v56, v8;
	v43 =	vsub.f32 v16, v32  }
0xe5: {  	v61 =	vmovc v60;
	v60 =	vld [tilespmem:$0x1FFA0];
	v62 =	vmul.f32 v30, v30;
	v4 =	vadd.f32 v4, v58;
	v11 =	vadd.f32 v59, v11  }
0xe6: {  	[tilespmem:$0x1FEC0] =	vst v14;
	v14 =	vmov v38;
	v38 =	vld.idx.msk [tilespmem:v20+s21+$0x0], $0xffff;
	v15 =	vsub.f32 $1.500000000e+00, v15;
	v12 =	vadd.f32 v57, v12  }
0xe7: {  	v16 =	vld.idx.msk [tilespmem:v20+s20+$0x0], $0xffff;
	v47 =	vmul.f32 v43, v43;
	v7 =	vnsel vm5, $0x0, v7;
	v11 =	vadd.f32 v62, v11  }
0xe8: {  	v25 =	vmovc v63;
	v63 =	vld [tilespmem:$0x1FF90];
	v15 =	vmul.f32 v41, v15;
	v5 =	vadd.f32 v7, v5;
	v7 =	vmul.f32 v39, v19  }
0xe9: {  	v10 =	vld.idx.msk [tilespmem:v20+s5+$0x0], $0xffff;
	v42 =	vsub.f32 v50, v22;
	v19 =	vmovc v54;
	v59 =	vshra.s32 v11, $0x1;
	v54 =	vmul.f32 $5.000000000e-01, v11  }
0xea: {  	v9 =	vld.idx.msk [tilespmem:v9+s22+$0x0], $0xffff;
	[tilespmem:$0x1FF70] =	vst v61;
	v56 =	vmul.f32 v33, v33;
	v7 =	vnsel vm4, $0x0, v7;
	v39 =	vsub.s32 $0x5F3759DF, v59  }
0xeb: {  	v61 =	vmovc v27;
	v27 =	vld [tilespmem:$0x1FF80];
	v38 =	vsub.f32 v38, v34;
	v41 =	vmul.f32 v7, v60;
	v62 =	vmul.f32 v39, v54  }
0xec: {  	v8 =	vadd.f32 v52, v8;
	v3 =	vmul.f32 v3, v53;
	[tilespmem:$0x1FF90] =	vst v61;
	v61 =	vld [tilespmem:$0x1FFF0];
	v46 =	vmul.f32 v15, v46  }
0xed: {  	v55 =	vmul.f32 v42, v42;
	v53 =	vadd.f32 v41, v4;
	v4 =	vmovc v38;
	v50 =	vmul.f32 v39, v62;
	v62 =	vld [tilespmem:$0x1FFC0]  }
0xee: {  	v16 =	vsub.f32 v16, v32;
	v51 =	vmul.f32 v7, v63;
	v10 =	vsub.f32 v10, v22;
	[tilespmem:$0x1FFC0] =	vst v4;
	v4 =	vld [tilespmem:$0x1FFB0]  }
0xef: {  	v6 =	vld.idx.msk [tilespmem:v6+s22+$0x0], $0xffff;
	v3 =	vnsel vm4, $0x0, v3;
	vm4 =	vne.s32 v45, v17;
	v57 =	vmul.f32 v38, v38  }
0xf0: {  	v7 =	vmul.f32 v7, v27;
	v51 =	vadd.f32 v51, v12;
	v12 =	vmul.f32 v16, v16;
	v27 =	vmovc v10  }
0xf1: {  	v52 =	vadd.s32 v61, v9;
	v10 =	vmul.f32 v10, v27;
	v45 =	vsub.f32 $1.500000000e+00, v50  }
0xf2: {  	v9 =	vmul.f32 v35, v49;
	v50 =	vadd.f32 v3, v5;
	v5 =	vadd.f32 v47, v55  }
0xf3: {  	v0 =	vadd.s32 $0xFFFFFF81, v0;
	v3 =	vmovc v16;
	v41 =	vmovc v4;
	v4 =	vadd.f32 v12, v10;
	v10 =	vmul.f32 v46, v15  }
0xf4: {  	v9 =	vadd.f32 $6.065830230e+00, v9;
	[tilespmem:$0x1FFB0] =	vst v3;
	v3 =	vmul.f32 v39, v45;
	v5 =	vadd.f32 v56, v5  }
0xf5: {  	v59 =	vld.idx.msk [tilespmem:v20+s22+$0x0], $0xffff;
	v47 =	vadd.s32 v61, v6;
	v4 =	vadd.f32 v57, v4;
	v6 =	vsub.f32 $1.500000000e+00, v10  }
0xf6: {  	v58 =	vld.idx.msk [tilespmem:v48+s23+$0x0], $0xffff;
	v55 =	vadd.f32 v7, v8;
	v7 =	vmul.f32 v3, v54;
	v12 =	vmul.f32 $5.000000000e-01, v5  }
0xf7: {  	[tilespmem:$0x1FFA0] =	vst v41;
	v8 =	vshra.s32 v4, $0x1;
	v10 =	vmul.f32 $5.000000000e-01, v4;
	v41 =	vmul.f32 v6, v15  }
0xf8: {  	v6 =	vmul.f32 v7, v3;
	v7 =	vshra.s32 v5, $0x1;
	v8 =	vsub.s32 $0x5F3759DF, v8  }
0xf9: {  	v7 =	vsub.s32 $0x5F3759DF, v7;
	v16 =	vmul.f32 v8, v10;
	v2 =	vmul.f32 v41, v2  }
0xfa: {  	v38 =	vadd.s32 v61, v59;
	v63 =	vmovc v62;
	v6 =	vsub.f32 $1.500000000e+00, v6;
	v62 =	vmul.f32 v7, v12  }
0xfb: {  	v45 =	vmov s1;
	[tilespmem:$0x1FF80] =	vst v63;
	v15 =	vld.idx.msk [tilespmem:v47+s23+$0x0], $0xffff;
	v16 =	vmul.f32 v8, v16;
	v63 =	vmul.f32 v2, v58  }
0xfc: {  	vm5 =	vlt.f32 v2, $1.000000000e+00;
	v56 =	vmul.f32 v6, v3;
	v2 =	vmul.f32 v7, v62  }
0xfd: {  	v6 =	vmul.f32 v35, v9;
	v3 =	vsub.f32 $1.500000000e+00, v16;
	v46 =	vsub.f32 $1.000000000e+00, v63  }
0xfe: {  	vm4 =	vmand vm4, vm5;
	v9 =	vmul.f32 v56, v11;
	v11 =	vsub.f32 $1.500000000e+00, v2  }
0xff: {  	v16 =	vcvt.s32.f32 v40;
	v3 =	vmul.f32 v8, v3;
	vm5 =	vgt.f32 v46, $0.0e+00  }
0x100: {  	v2 =	vmul.f32 v9, v15;
	vm8 =	vlt.f32 v9, $1.000000000e+00;
	vm6 =	vmand vm4, vm5  }
0x101: {  	v7 =	vmul.f32 v7, v11;
	v8 =	vmul.f32 v3, v10;
	v9 =	vnsel vm6, $0x3F800000, v46  }
0x102: {  	v2 =	vsub.f32 $1.000000000e+00, v2;
	v10 =	vshra.s32 v9, $0x17;
	v9 =	vand.u32 $0x7FFFFF, v9  }
0x103: {  	vm3 =	vmand vm3, vm8;
	v12 =	vmul.f32 v7, v12;
	v9 =	vor.u32 $0x3F800000, v9  }
0x104: {  	v8 =	vmul.f32 v8, v3;
	vm4 =	vgt.f32 v2, $0.0e+00;
	v11 =	vmul.f32 $2.482560650e-02, v9  }
0x105: {  	v6 =	vadd.f32 $-3.028317450e+00, v6;
	v12 =	vmul.f32 v12, v7;
	vm3 =	vmand vm3, vm4  }
0x106: {  	v8 =	vsub.f32 $1.500000000e+00, v8;
	v15 =	vnsel vm3, $0x3F800000, v2;
	v11 =	vsub.f32 $2.668588160e-01, v11  }
0x107: {  	v6 =	vadd.f32 v16, v6;
	v12 =	vsub.f32 $1.500000000e+00, v12;
	v16 =	vand.u32 $0x7FFFFF, v15  }
0x108: {  	v54 =	vmul.f32 v8, v3;
	v8 =	vor.u32 $0x3F800000, v16;
	v11 =	vmul.f32 v9, v11  }
0x109: {  	v3 =	vmul.f32 v6, v13;
	v6 =	vshra.s32 v15, $0x17;
	v15 =	vld.idx.msk [tilespmem:v38+s23+$0x0], $0xffff;
	v16 =	vmul.f32 $2.482560650e-02, v8  }
0x10a: {  	vm5 =	vmmov vm1;
	v10 =	vadd.s32 $0xFFFFFF81, v10;
	v11 =	vadd.f32 $-1.234263180e+00, v11  }
0x10b: {  	v7 =	vmul.f32 v12, v7;
	v3 =	vmul.f32 $1.442695020e+00, v3;
	v16 =	vsub.f32 $2.668588160e-01, v16  }
0x10c: {  	vm4 =	vmmov vm0;
	v4 =	vmul.f32 v54, v4;
	v11 =	vmul.f32 v9, v11  }
0x10d: {  	vm0 =	vne.s32 v20, v17;
	(erf) = vpow2.f32 v3;
	v3 =	vmul.f32 v8, v16  }
0x10e: {  	v49 =	vld.idx.msk [tilespmem:v52+s23+$0x0], $0xffff;
	v10 =	vcvt.s32.f32 v10;
	v12 =	vmul.f32 v4, v15;
	v11 =	vadd.f32 $3.218832730e+00, v11  }
0x10f: {  	v6 =	vadd.s32 $0xFFFFFF81, v6;
	v5 =	vmul.f32 v7, v5;
	v3 =	vadd.f32 $-1.234263180e+00, v3  }
0x110: {  	vm1 =	vlt.f32 v4, $1.000000000e+00;
	v60 =	vsub.f32 $1.000000000e+00, v12;
	v4 =	vmul.f32 v9, v11  }
0x111: {  	vm8 =	vlt.f32 v5, $1.000000000e+00;
	vm0 =	vmand vm0, vm1;
	v3 =	vmul.f32 v8, v3  }
0x112: {  	vm7 =	vmand vm7, vm8;
	vm1 =	vgt.f32 v60, $0.0e+00;
	v4 =	vadd.f32 $-5.264110570e+00, v4  }
0x113: {  	v11 =	vmul.f32 v5, v49;
	v5 =	vld.idx.msk [tilespmem:v29+s26+$0x0], $0xffff;
	vm0 =	vmand vm0, vm1;
	v3 =	vadd.f32 $3.218832730e+00, v3  }
0x114: {  	v12 =	vmul.f32 $1.442695020e+00, v24;
	v39 =	vnsel vm0, $0x3F800000, v60;
	v4 =	vmul.f32 v9, v4  }
0x115: {  	v63 =	vsub.f32 $1.000000000e+00, v11;
	v11 =	vand.u32 $0x7FFFFF, v39;
	v3 =	vmul.f32 v8, v3  }
0x116: {  	v11 =	vor.u32 $0x3F800000, v11;
	v58 =	vpop (erf);
	(erf) = vpow2.f32 v12;
	v4 =	vadd.f32 $6.065830230e+00, v4  }
0x117: {  	v57 =	vld.idx.msk [tilespmem:v45+s20+$0x0], $0xffff;
	vm1 =	vgt.f32 v63, $0.0e+00;
	v15 =	vmul.f32 $2.482560650e-02, v11;
	v3 =	vadd.f32 $-5.264110570e+00, v3  }
0x118: {  	v13 =	vld.idx.msk [tilespmem:v52+s24+$0x0], $0xffff;
	vm1 =	vmand vm7, vm1;
	v5 =	vmul.f32 v58, v5;
	v4 =	vmul.f32 v9, v4  }
0x119: {  	v16 =	vld.idx.msk [tilespmem:v48+s24+$0x0], $0xffff;
	v12 =	vsub.f32 $2.668588160e-01, v15;
	v9 =	vnsel vm1, $0x3F800000, v63;
	v3 =	vmul.f32 v8, v3  }
0x11a: {  	v24 =	vld.idx.msk [tilespmem:v31+s26+$0x0], $0xffff;
	v5 =	vmul.f32 v5, v37;
	v20 =	vand.u32 $0x7FFFFF, v9;
	v4 =	vadd.f32 $-3.028317450e+00, v4  }
0x11b: {  	v37 =	vmovc v7;
	v7 =	vld.idx.msk [tilespmem:v31+s25+$0x0], $0xffff;
	v12 =	vmul.f32 v11, v12;
	v3 =	vadd.f32 $6.065830230e+00, v3;
	v35 =	vor.u32 $0x3F800000, v20  }
0x11c: {  	v49 =	vld.idx.msk [tilespmem:v45+s21+$0x0], $0xffff;
	v62 =	vnsel vm5, $0x0, v5;
	v20 =	vmul.f32 $2.482560650e-02, v35;
	v4 =	vadd.f32 v10, v4  }
0x11d: {  	v15 =	vld.idx.msk [tilespmem:v14+s24+$0x0], $0xffff;
	v5 =	vshra.s32 v9, $0x17;
	v12 =	vadd.f32 $-1.234263180e+00, v12;
	v3 =	vmul.f32 v8, v3  }
0x11e: {  	v9 =	vsub.f32 $2.668588160e-01, v20;
	v20 =	vld.idx.msk [tilespmem:v45+s5+$0x0], $0xffff;
	v4 =	vmul.f32 v4, v16;
	v16 =	vadd.f32 $6.065830230e+00, v21  }
0x11f: {  	v6 =	vcvt.s32.f32 v6;
	v40 =	vadd.s32 $0xFFFFFF81, v5;
	v10 =	vld.idx.msk [tilespmem:v47+s24+$0x0], $0xffff;
	v12 =	vmul.f32 v11, v12;
	v21 =	vpop (erf)  }
0x120: {  	v8 =	vld.idx.msk [tilespmem:v45+s22+$0x0], $0xffff;
	v3 =	vadd.f32 $-3.028317450e+00, v3;
	v5 =	vmul.f32 v21, v7;
	v16 =	vmul.f32 v44, v16  }
0x121: {  	v9 =	vmul.f32 v35, v9;
	v12 =	vadd.f32 $3.218832730e+00, v12;
	v4 =	vmul.f32 $1.442695020e+00, v4;
	v44 =	vmovc v11;
	v11 =	vld [tilespmem:$0x1FE80]  }
0x122: {  	v3 =	vadd.f32 v6, v3;
	v5 =	vmul.f32 v5, v36;
	v6 =	vadd.f32 $-3.028317450e+00, v16;
	v16 =	vld [tilespmem:$0x1FE90]  }
0x123: {  	s2 =	sadd.s32 $0x4, s2;
	v0 =	vcvt.s32.f32 v0;
	v7 =	vadd.f32 $-1.234263180e+00, v9;
	v20 =	vsub.f32 v20, v22;
	v22 =	vld [tilespmem:$0x1FEC0]  }
0x124: {  	p1 =	slt.u32 s2, s13;
	v31 =	vmovc v47;
	(erf) = vpow2.f32 v4;
	v4 =	vmul.f32 v44, v12;
	v47 =	vnsel vm2, $0x0, v5;
	v5 =	vld [tilespmem:$0x1FEB0]  }
.Ltmp2:
0x125: {  	v9 =	vmov v56;
	v56 =	vld.idx.msk [tilespmem:v48+s25+$0x0], $0xffff;
	(pc) =	sbr.rel @p1 .LBB2_5-.Ltmp2, $4  }
0x126: {  	v36 =	vmovc v2;
	v2 =	vadd.f32 $-5.264110570e+00, v4;
	v4 =	vadd.f32 v0, v6;
	v6 =	vmul.f32 v35, v7;
	v7 =	vld [tilespmem:$0x1FEA0]  }
0x127: {  	v8 =	vadd.s32 v61, v8;
	v12 =	vmul.f32 v21, v24;
	v0 =	vld.idx.msk [tilespmem:v48+s26+$0x0], $0xffff  }
0x128: {  	v61 =	vsub.f32 v57, v32;
	v21 =	vmul.f32 v44, v2;
	v2 =	vmul.f32 v4, v15;
	v15 =	vld [tilespmem:$0x1FED0]  }
0x129: {  	v24 =	vmul.f32 v3, v10;
	v10 =	vmovc v29;
	v48 =	vmovc v8;
	v57 =	vadd.f32 $3.218832730e+00, v6;
	v4 =	vld [tilespmem:$0x1FEE0];
	v59 =	vmul.f32 v12, v5  }
0x12a: {  	_ =	sdelay $0x3  }
0x12b: {  	v3 =	vmov v4  }
0x12c: {  	[tilespmem:$0x1FF00] =	vst v18;
	v18 =	vmov v3;
	v3 =	vld [tilespmem:$0x1FF70];
	_ =	sdelay $0x4  }
0x12d: {  	[tilespmem:$0x1FF20] =	vst v3;
	v3 =	vld [tilespmem:$0x1FF90];
	_ =	sdelay $0x4  }
0x12e: {  	[tilespmem:$0x1FF40] =	vst v3;
	v3 =	vld [tilespmem:$0x1FFA0];
	_ =	sdelay $0x4  }
0x12f: {  	[tilespmem:$0x1FF50] =	vst v3;
	v3 =	vld [tilespmem:$0x1FF80];
	_ =	sdelay $0x1  }
0x130: {  	v12 =	vmovc v11;
	v11 =	vmov v1;
	v1 =	vmov v16;
	[tilespmem:$0x1FF10] =	vst v25;
	v25 =	vmov v42  }
0x131: {  	[tilespmem:$0x1FF30] =	vst v19;
	v32 =	vmovc v52;
	v42 =	vmovc v30;
	v30 =	vmov v26;
	v52 =	vmov v33;
	v19 =	vmov v48  }
0x132: {  	v26 =	vmovc v60;
	v48 =	vmovc v44;
	v60 =	vmov v17;
	v5 =	vmov v34;
	v44 =	vmov v7  }
0x133: {  	v29 =	vld [tilespmem:$0x1FFC0];
	v4 =	vmovc v14;
	v14 =	vmovc v38;
	v38 =	vmov v31;
	v31 =	vmov v9;
	[tilespmem:$0x1FF60] =	vst v3;
	v3 =	vmov v43  }
0x134: {  	[tilespmem:$0x1FEF0] =	vst v10;
	v33 =	vld [tilespmem:$0x1FFB0];
	v17 =	vmovc v4;
	v43 =	vmovc v28;
	v28 =	vmov v27;
	v27 =	vimm.f32 $0.0e+00;
	v34 =	vmov v3  }
.LBB2_7:
0x135: {  	v3 =	vmul.f32 v20, v20;
	v16 =	vsub.f32 v49, v5;
	v4 =	vmul.f32 v61, v61;
	_ =	sdelay $0x1  }
0x136: {  	v3 =	vadd.f32 v4, v3;
	v10 =	vmul.f32 v16, v16;
	_ =	sdelay $0x1  }
0x137: {  	v3 =	vadd.f32 v10, v3;
	_ =	sdelay $0x1  }
0x138: {  	v4 =	vshra.s32 v3, $0x1;
	v49 =	vmul.f32 $5.000000000e-01, v3  }
0x139: {  	v4 =	vsub.s32 $0x5F3759DF, v4  }
0x13a: {  	v6 =	vmul.f32 v4, v49;
	_ =	sdelay $0x1  }
0x13b: {  	v6 =	vmul.f32 v4, v6;
	_ =	sdelay $0x1  }
0x13c: {  	v6 =	vsub.f32 $1.500000000e+00, v6;
	_ =	sdelay $0x1  }
0x13d: {  	v4 =	vmul.f32 v4, v6;
	_ =	sdelay $0x1  }
0x13e: {  	v5 =	vmul.f32 v4, v49;
	_ =	sdelay $0x1  }
0x13f: {  	v5 =	vmul.f32 v5, v4;
	_ =	sdelay $0x1  }
0x140: {  	v5 =	vsub.f32 $1.500000000e+00, v5  }
0x141: {  	v9 =	vld.idx.msk [tilespmem:v19+s23+$0x0], $0xffff  }
0x142: {  	v4 =	vmul.f32 v5, v4;
	_ =	sdelay $0x1  }
0x143: {  	v3 =	vmul.f32 v4, v3;
	_ =	sdelay $0x1  }
0x144: {  	v10 =	vmul.f32 v3, v9;
	_ =	sdelay $0x1  }
0x145: {  	v5 =	vsub.f32 $1.000000000e+00, v10  }
0x146: {  	vm7 =	vne.s32 v45, v60;
	vm8 =	vlt.f32 v3, $1.000000000e+00  }
0x147: {  	vm7 =	vmand vm7, vm8;
	vm14 =	vgt.f32 v5, $0.0e+00  }
0x148: {  	vm7 =	vmand vm7, vm14  }
0x149: {  	v49 =	vnsel vm7, $0x3F800000, v5  }
0x14a: {  	v10 =	vand.u32 $0x7FFFFF, v49  }
0x14b: {  	v6 =	vor.u32 $0x3F800000, v10  }
0x14c: {  	v7 =	vmul.f32 $2.482560650e-02, v6  }
0x14d: {  	v8 =	vmul.f32 v35, v57  }
0x14e: {  	v7 =	vsub.f32 $2.668588160e-01, v7  }
0x14f: {  	v8 =	vadd.f32 $-5.264110570e+00, v8  }
0x150: {  	v7 =	vmul.f32 v6, v7  }
0x151: {  	v8 =	vmul.f32 v35, v8  }
0x152: {  	v9 =	vpop @p0 (erf);
	v7 =	vadd.f32 $-1.234263180e+00, v7  }
0x153: {  	v8 =	vadd.f32 $6.065830230e+00, v8;
	v0 =	vmul.f32 @p0 v9, v0  }
0x154: {  	v7 =	vmul.f32 v6, v7  }
0x155: {  	v0 =	vmul.f32 @p0 v0, v41;
	v41 =	vmul.f32 v35, v8;
	v8 =	vnsel @p0 vm2, $0x0, v59  }
0x156: {  	v2 =	vmul.f32 @p0 $1.442695020e+00, v2;
	v10 =	vmul.f32 @p0 v8, v12;
	v12 =	vld [tilespmem:$0x1FEF0];
	v7 =	vadd.f32 $3.218832730e+00, v7  }
0x157: {  	v45 =	vcvt.s32.f32 v40;
	v9 =	vmul.f32 @p0 v9, v56  }
0x158: {  	(erf) = vpow2.f32 @p0 v2;
	v2 =	vadd.f32 $-3.028317450e+00, v41;
	v7 =	vmul.f32 v6, v7  }
0x159: {  	v9 =	vmul.f32 @p0 v9, v46;
	v11 =	vmul.f32 @p0 v8, v11;
	v0 =	vnsel @p0 vm6, $0x0, v0  }
0x15a: {  	v2 =	vadd.f32 v45, v2;
	v8 =	vmul.f32 @p0 v8, v1;
	v7 =	vadd.f32 $-5.264110570e+00, v7  }
0x15b: {  	v9 =	vnsel @p0 vm6, $0x0, v9;
	v1 =	vmul.f32 @p0 v0, v15;
	v15 =	vmul.f32 @p0 v0, v23  }
0x15c: {  	v3 =	vshra.s32 v49, $0x17;
	v2 =	vmul.f32 v2, v13;
	v7 =	vmul.f32 v6, v7  }
0x15d: {  	v9 =	vadd.f32 @p0 v9, v50;
	v49 =	vld.idx.msk [tilespmem:v19+s24+$0x0], $0xffff;
	v0 =	vmul.f32 @p0 v0, v22;
	v3 =	vadd.s32 $0xFFFFFF81, v3  }
0x15e: {  	v15 =	vadd.f32 @p0 v15, v53;
	v2 =	vmul.f32 $1.442695020e+00, v2;
	v12 =	vld.idx.msk @p0 [tilespmem:v12+s25+$0x0], $0xffff;
	v7 =	vadd.f32 $6.065830230e+00, v7  }
0x15f: {  	v50 =	vmul.f32 $1.442695020e+00, v24;
	v23 =	vld [tilespmem:$0x1FF00];
	v3 =	vcvt.s32.f32 v3;
	v0 =	vadd.f32 @p0 v0, v55  }
0x160: {  	(erf) = vpow2.f32 v2;
	v2 =	vadd.f32 @p0 v8, v15;
	v8 =	vld [tilespmem:$0x1FF10];
	v6 =	vmul.f32 v6, v7  }
0x161: {  	v22 =	vld.idx.msk @p0 [tilespmem:v17+s25+$0x0], $0xffff;
	v1 =	vadd.f32 @p0 v1, v51;
	v51 =	vadd.f32 $6.065830230e+00, v21;
	(erf) = vpow2.f32 v50  }
0x162: {  	v17 =	vld.idx.msk @p0 [tilespmem:v17+s26+$0x0], $0xffff;
	v53 =	vshra.s32 v39, $0x17;
	v0 =	vadd.f32 @p0 v10, v0;
	v6 =	vadd.f32 $-3.028317450e+00, v6  }
0x163: {  	v57 =	vld.idx.msk [tilespmem:v14+s24+$0x0], $0xffff;
	v55 =	vmul.f32 v48, v51;
	v10 =	vadd.s32 $0xFFFFFF81, v53;
	v12 =	vmul.f32 @p0 v58, v12  }
0x164: {  	v56 =	vld.idx.msk [tilespmem:v32+s26+$0x0], $0xffff;
	v23 =	vmul.f32 @p0 v62, v23;
	v58 =	vcvt.s32.f32 v10;
	v3 =	vadd.f32 v3, v6  }
0x165: {  	v59 =	vld.idx.msk [tilespmem:v38+s25+$0x0], $0xffff;
	v8 =	vmul.f32 @p0 v12, v8;
	v7 =	vmul.f32 @p0 v62, v18  }
0x166: {  	v1 =	vadd.f32 @p0 v11, v1;
	v18 =	vmul.f32 @p0 v62, v44;
	v62 =	vld.idx.msk [tilespmem:v38+s26+$0x0], $0xffff;
	v3 =	vmul.f32 v3, v49;
	v6 =	vpop @p0 (erf)  }
0x167: {  	v11 =	vadd.f32 $-3.028317450e+00, v55;
	v12 =	vmul.f32 @p0 v6, v22;
	v6 =	vmul.f32 @p0 v6, v17;
	v17 =	vld [tilespmem:$0x1FF30]  }
0x168: {  	vm15 =	vmmov vm3;
	vm1 =	vmmov vm1;
	v3 =	vmul.f32 $1.442695020e+00, v3  }
0x169: {  	v46 =	vmov v19;
	v19 =	vld [tilespmem:$0x1FF60];
	v2 =	vadd.f32 @p0 v7, v2;
	v7 =	vadd.f32 v58, v11;
	v21 =	vpop (erf)  }
0x16a: {  	v0 =	vadd.f32 @p0 v23, v0;
	v11 =	vld [tilespmem:$0x1FF40];
	v23 =	vpop (erf);
	v15 =	vmul.f32 v21, v56;
	(erf) = vpow2.f32 v3  }
0x16b: {  	v1 =	vadd.f32 @p0 v18, v1;
	v18 =	vld [tilespmem:$0x1FF50];
	v10 =	vmul.f32 v23, v59;
	v3 =	vmul.f32 v7, v57  }
0x16c: {  	vm0 =	vmmov vm0;
	v7 =	vmul.f32 v23, v62;
	v6 =	vmul.f32 @p0 v6, v17  }
0x16d: {  	v9 =	vadd.f32 @p0 v47, v9;
	v35 =	vmul.f32 v15, v37;
	v3 =	vmul.f32 $1.442695020e+00, v3  }
0x16e: {  	v10 =	vmul.f32 v10, v36;
	v17 =	vld [tilespmem:$0x1FF20];
	v37 =	vmul.f32 v7, v31;
	v6 =	vnsel @p0 vm4, $0x0, v6  }
0x16f: {  	v8 =	vnsel @p0 vm5, $0x0, v8;
	v22 =	vld.idx.msk [tilespmem:v46+s26+$0x0], $0xffff;
	(erf) = vpow2.f32 v3;
	v11 =	vmul.f32 @p0 v6, v11  }
0x170: {  	v24 =	vld.idx.msk [tilespmem:v46+s25+$0x0], $0xffff;
	v46 =	vnsel vm1, $0x0, v35;
	v18 =	vmul.f32 @p0 v6, v18;
	v6 =	vmul.f32 @p0 v6, v19  }
0x171: {  	v8 =	vadd.f32 @p0 v8, v9;
	v48 =	vmul.f32 v46, v34;
	v10 =	vnsel vm15, $0x0, v10  }
0x172: {  	v49 =	vmul.f32 v46, v25;
	v0 =	vadd.f32 @p0 v6, v0;
	v6 =	vnsel vm15, $0x0, v37  }
0x173: {  	v40 =	vld.idx.msk [tilespmem:v32+s25+$0x0], $0xffff;
	v12 =	vmul.f32 @p0 v12, v17;
	v1 =	vadd.f32 @p0 v11, v1;
	v41 =	vmul.f32 v6, v42;
	v38 =	vpop (erf)  }
0x174: {  	v2 =	vadd.f32 @p0 v18, v2;
	v42 =	vmul.f32 v6, v43;
	v43 =	vld.idx.msk [tilespmem:v14+s26+$0x0], $0xffff;
	v39 =	vmul.f32 v38, v22  }
0x175: {  	v47 =	vld.idx.msk [tilespmem:v14+s25+$0x0], $0xffff;
	v6 =	vmul.f32 v6, v30;
	v12 =	vnsel @p0 vm4, $0x0, v12;
	v3 =	vmul.f32 v38, v24  }
0x176: {  	v1 =	vpsel p0, v1, v27;
	v8 =	vadd.f32 @p0 v12, v8;
	v4 =	vmul.f32 v39, v4  }
0x177: {  	v2 =	vpsel p0, v2, v27;
	v0 =	vpsel p0, v0, v27;
	v3 =	vmul.f32 v3, v5  }
0x178: {  	v8 =	vpsel p0, v8, v27;
	v5 =	vmul.f32 v21, v40;
	v50 =	vpop (erf);
	v4 =	vnsel vm7, $0x0, v4  }
0x179: {  	v3 =	vnsel vm7, $0x0, v3;
	v51 =	vmul.f32 v50, v43;
	v44 =	vmul.f32 v4, v20  }
0x17a: {  	v53 =	vmul.f32 v50, v47;
	v45 =	vmul.f32 v4, v61;
	v3 =	vadd.f32 v3, v8  }
0x17b: {  	v4 =	vmul.f32 v4, v16;
	v8 =	vmul.f32 v46, v52;
	v1 =	vadd.f32 v44, v1  }
0x17c: {  	v52 =	vmul.f32 v5, v63;
	v54 =	vmul.f32 v51, v54;
	v2 =	vadd.f32 v45, v2  }
0x17d: {  	v5 =	vmul.f32 v53, v26;
	v0 =	vadd.f32 v4, v0;
	v1 =	vadd.f32 v42, v1  }
0x17e: {  	v3 =	vadd.f32 v10, v3;
	v2 =	vadd.f32 v6, v2;
	v6 =	vnsel vm0, $0x0, v54  }
0x17f: {  	v0 =	vadd.f32 v41, v0;
	v55 =	vmul.f32 v6, v28;
	v1 =	vadd.f32 v49, v1  }
0x180: {  	v4 =	vnsel vm1, $0x0, v52;
	v56 =	vmul.f32 v6, v33;
	v2 =	vadd.f32 v48, v2  }
0x181: {  	v57 =	vmul.f32 v6, v29;
	v58 =	vadd.f32 v8, v0;
	v59 =	vadd.f32 v55, v1  }
0x182: {  	v3 =	vadd.f32 v4, v3;
	v61 =	vadd.f32 v56, v2  }
0x183: {  	v62 =	vnsel vm0, $0x0, v5;
	v63 =	vadd.f32 v57, v58;
	[tilespmem:$0x2200] =	vst v59  }
0x184: {  	v2 =	vadd.f32 v62, v3;
	[tilespmem:$0x2280] =	vst v61  }
0x185: {  	[tilespmem:$0x2300] =	vst v63  }
0x186: {  	[tilespmem:$0x2380] =	vst v2  }
0x187: {  	[hbm4b:s14+s5] =	stream.linear.scatter [tilespmem:s28], [sflag:$0x1], $0x10, $0x38;
	[tilespmem:$0x2400] =	vst v63  }
0x188: {  	_ =	swait.ge [sflag:s19], $0x10  }
0x189: {  	[sflag:s19] =	ssyncset.done $0x0  }
0x18a: {  	[sflag:s19] =	ssyncadd.s32 $0xFFFFFFF0  }
0x18b: {  	[hbm4b:s15+s5] =	stream.linear.scatter [tilespmem:s29], [sflag:$0x1], $0x10, $0x38;
	[tilespmem:$0x2400] =	vst v63  }
0x18c: {  	_ =	swait.ge [sflag:s19], $0x10  }
0x18d: {  	[sflag:s19] =	ssyncset.done $0x0  }
0x18e: {  	[sflag:s19] =	ssyncadd.s32 $0xFFFFFFF0  }
0x18f: {  	[hbm4b:s16+s5] =	stream.linear.scatter [tilespmem:s30], [sflag:$0x1], $0x10, $0x38;
	[tilespmem:$0x2400] =	vst v63  }
0x190: {  	_ =	swait.ge [sflag:s19], $0x10  }
0x191: {  	s0 =	sadd.s32 $0x1, s0;
	[sflag:s19] =	ssyncset.done $0x0  }
0x192: {  	p0 =	seq.s32 s0, s18;
	[sflag:s19] =	ssyncadd.s32 $0xFFFFFFF0  }
0x193: {  	[hbm4b:s17+s5] =	stream.linear.scatter [tilespmem:s31], [sflag:$0x1], $0x10, $0x38;
	[tilespmem:$0x2400] =	vst v63  }
.Ltmp3:
0x194: {  	_ = 	snop;
	(pc) =	sbr.rel @!p0 .LBB2_1-.Ltmp3, $4  }
.Ltmp4:
0x195: {  	_ = 	snop;
	(pc) =	sbr.rel @p0 .LBB2_8-.Ltmp4, $4  }
0x196: {  	_ =	swait.ge [sflag:s19], $0x10  }
0x197: {  	[sflag:s19] =	ssyncset.done $0x0  }
0x198: {  	[sflag:s19] =	ssyncadd.s32 $0xFFFFFFF0  }
0x199: {  	_ = 	snop  }
.LBB2_2:
0x19a: {  	_ = 	snop  }
0x19b: {  	_ = 	snop  }
.Ltmp5:
0x19c: {  	(pc) =	sbr.rel .LBB2_7-.Ltmp5, $4  }
0x19d: {  	_ = 	snop  }
0x19e: {  	_ = 	snop  }
0x19f: {  	v20 =	vmovc v15;
	v50 =	vimm.f32 $0.0e+00;
	v51 =	vimm.f32 $0.0e+00;
	v53 =	vimm.f32 $0.0e+00  }
0x1a0: {  	v55 =	vimm.f32 $0.0e+00;
	v34 =	vmovc v4;
	v25 =	vmovc v7;
	v32 =	vmov v10;
	v61 =	vmov v23  }
.LBB2_4:
0x1a1: {  	v3 =	vmov v4  }
0x1a2: {  	[tilespmem:$0x1FF00] =	vst v18;
	v18 =	vmov v3;
	v3 =	vld [tilespmem:$0x1FF70];
	_ =	sdelay $0x4  }
0x1a3: {  	[tilespmem:$0x1FF20] =	vst v3;
	v3 =	vld [tilespmem:$0x1FF90];
	_ =	sdelay $0x4  }
0x1a4: {  	[tilespmem:$0x1FF40] =	vst v3;
	v3 =	vld [tilespmem:$0x1FFA0];
	_ =	sdelay $0x4  }
0x1a5: {  	[tilespmem:$0x1FF50] =	vst v3;
	v3 =	vld [tilespmem:$0x1FF80]  }
0x1a6: {  	v4 =	vmov v14;
	v12 =	vmov v11;
	v11 =	vmov v1  }
.Ltmp6:
0x1a7: {  	v1 =	vmovc v16;
	v50 =	vimm.f32 $0.0e+00;
	[tilespmem:$0x1FF10] =	vst v25;
	v25 =	vmovc v42;
	v32 =	vmov v52;
	v42 =	vmov v30;
	(pc) =	sbr.rel .LBB2_7-.Ltmp6, $4  }
0x1a8: {  	v30 =	vmovc v26;
	v51 =	vimm.f32 $0.0e+00;
	v53 =	vimm.f32 $0.0e+00;
	v55 =	vimm.f32 $0.0e+00;
	v52 =	vmovc v33  }
0x1a9: {  	[tilespmem:$0x1FF30] =	vst v19;
	v14 =	vmovc v38;
	v19 =	vmovc v48;
	v26 =	vmov v60;
	v38 =	vmov v31;
	v48 =	vmov v44  }
0x1aa: {  	v29 =	vld [tilespmem:$0x1FFC0];
	v44 =	vmovc v7;
	v31 =	vmovc v9;
	v60 =	vmov v17;
	v5 =	vmov v34;
	[tilespmem:$0x1FF60] =	vst v3;
	v3 =	vmov v43  }
0x1ab: {  	[tilespmem:$0x1FEF0] =	vst v10;
	v33 =	vld [tilespmem:$0x1FFB0];
	v17 =	vmovc v4;
	v43 =	vmovc v28;
	v28 =	vmov v27;
	v27 =	vimm.f32 $0.0e+00;
	v34 =	vmov v3  }
.LBB2_8:
0x1ac: {  	_ =	sfence.sel $0x180000  }
0x1ad: {  	[bflag:$0x0] =	sbarrier.arrive $0xFFFF  }
0x1ae: {  	_ =	strace $0x90000047  }
0x1af: {  	s0 =	stileid.u32;
	[bflag:$0x2] =	sbarrier.arrive $0xFFFF  }
0x1b0: {  	p0 =	sne.s32 s0, $0x0;
	s0 =	rddreg [dreg:$0x4]  }
0x1b1: {  	s0 =	sadd.s32 @!p0 $0x100000, s0  }
0x1b2: {  	[sflag:s0] =	ssyncadd.tile.s32 @!p0 $0x1;
	_ =	shalt  }
.Lfunc_end2:
_tile_overlayer_lowered:
.L_overlay_start_2:
0x1b3: {  	(tag) =	ssettag $0x2  }
0x1b4: {  	s0 =	rddreg [dreg:$0x0];
	s2 =	stileid.u32  }
0x1b5: {  	s1 =	rddreg [dreg:$0x1];
	p0 =	sne.s32 s2, $0x0  }
0x1b6: {  	s3 =	rddreg [dreg:$0x2];
	[bflag:$0x3] =	sbarrier.arrive $0xFFFF;
	s2 =	simm.s32 @!p0 $0x1C01  }
0x1b7: {  	[timem:s3], [sflag:s2] =	dma.local @!p0 [hbm:s0], s1  }
0x1b8: {  	s0 =	simm.s32 @!p0 $0x1  }
0x1b9: {  	_ =	swait.ge @!p0 [sflag:s0], s1  }
0x1ba: {  	s1 =	ssub.s32 @!p0 $0x0, s1;
	[sflag:s0] =	ssyncset.done @!p0 $0x0  }
0x1bb: {  	[sflag:s0] =	ssyncadd.s32 @!p0 s1  }
0x1bc: {  	[bflag:$0x3] =	sbarrier.arrive $0xFFFF  }
0x1bd: {  	_ =	shalt  }

</sc_bundles>
